<compile_context>
chip_gen: v7x
topology: tpu7x:2x2x1
jax: 0.10.2.dev20260603
libtpu: 0.0.44.dev20260713+nightly
codegen_flags: <defaults>
</compile_context>

<pallas_src>
import functools

import jax
import jax.numpy as jnp
from jax import lax
from jax.experimental import pallas as pl
from jax.experimental.pallas import tpu as pltpu
from jax.experimental.pallas import tpu_sc as plsc

N = 10000
E = 320000
C = 128
R = E + N
NC, NS, L = 2, 16, 16
NW = NC * NS
N_PAD = 10240
STRIPE = N_PAD // NS
RT = 10400
R_PAD = RT * NW
K1 = 104
ITERS1 = RT // K1
K3 = 400
ITERS3 = RT // K3
FAST_CORE = 0
PAIR_RT = 2 * RT
RT1_F, RT1_S = 13520, 7280
RT3_F, RT3_S = 13600, 7200
KC = 104
ITERSC = RT // KC
CEPS = 1.0 / 1024.0
BR = 2000
NBLK = R // BR
EPS = 1e-5

_mesh = plsc.VectorSubcoreMesh(
    core_axis_name="c", subcore_axis_name="s", num_cores=NC, num_subcores=NS)

f32 = jnp.float32
i32 = jnp.int32



@functools.partial(
    pl.kernel,
    out_type=jax.ShapeDtypeStruct((NC, N_PAD, C), f32),
    mesh=_mesh,
    scratch_types=[
        pltpu.VMEM_SHARED((N_PAD, C), f32),
        pltpu.VMEM((K1,), i32),
        pltpu.VMEM((K1,), i32),
        pltpu.VMEM((K1,), i32),
        pltpu.VMEM((K1,), i32),
        pltpu.VMEM((K1, C), f32),
        pltpu.VMEM((K1, C), f32),
        [pltpu.SemaphoreType.DMA] * 2,
        [pltpu.SemaphoreType.DMA] * 2,
    ],
)
def _sc_nsum(x_hbm, src_hbm, dst_hbm, zrow_hbm,
             nsum_out, nsum_sh, sidx0, sidx1, didx0, didx1, rows0, rows1,
             semA, semW):
  sidx = [sidx0, sidx1]
  didx = [didx0, didx1]
  rows = [rows0, rows1]
  c = lax.axis_index("c")
  s = lax.axis_index("s")
  pltpu.sync_copy(zrow_hbm, nsum_sh.at[pl.ds(s * STRIPE, STRIPE), :])
  plsc.subcore_barrier()

  fast = c == FAST_CORE
  base = s * PAIR_RT + jnp.where(fast, 0, RT1_F)
  iters = jnp.where(fast, RT1_F // K1, RT1_S // K1)

  def load_and_gather(i, b):
    off = pl.multiple_of(base + i * K1, 8)
    pltpu.sync_copy(src_hbm.at[pl.ds(off, K1)], sidx[b])
    pltpu.sync_copy(dst_hbm.at[pl.ds(off, K1)], didx[b])
    pltpu.async_copy(x_hbm.at[sidx[b]], rows[b], semA[b])

  load_and_gather(0, 0)
  load_and_gather(1, 1)

  def step(t, carry):
    for b in range(2):
      i = t * 2 + b
      pltpu.make_async_copy(x_hbm.at[sidx[b]], rows[b], semA[b]).wait()
      pltpu.async_copy(rows[b], nsum_sh.at[didx[b]], semW[b], add=True)
      pltpu.make_async_copy(rows[b], nsum_sh.at[didx[b]], semW[b]).wait()

      @pl.when(i + 2 < iters)
      def _():
        load_and_gather(i + 2, b)
    return carry

  lax.fori_loop(0, iters // 2, step, 0)
  plsc.subcore_barrier()
  sl = pl.ds(s * STRIPE, STRIPE)
  pltpu.sync_copy(nsum_sh.at[sl, :], nsum_out.at[c, sl, :])



@functools.partial(
    pl.kernel,
    out_type=jax.ShapeDtypeStruct((NC, N_PAD, C), f32),
    mesh=_mesh,
    scratch_types=[
        pltpu.VMEM_SHARED((N_PAD, C), f32),
        pltpu.VMEM((KC,), i32),
        pltpu.VMEM((KC,), i32),
        pltpu.VMEM((KC,), i32),
        pltpu.VMEM((KC,), i32),
        pltpu.VMEM((KC, C), f32),
        pltpu.VMEM((KC, C), f32),
        [pltpu.SemaphoreType.DMA] * 2,
        [pltpu.SemaphoreType.DMA] * 2,
        [pltpu.SemaphoreType.DMA] * 2,
        [pltpu.SemaphoreType.DMA] * 2,
    ],
)
def _sc_cnt(src_hbm, dst_hbm, ones_hbm, eps_hbm, zrow_hbm, acc_out, acc_sh,
            sidx0, sidx1, didx0, didx1, ones_v, eps_v,
            semI, semJ, semW, semV):
  sidx = [sidx0, sidx1]
  didx = [didx0, didx1]
  c = lax.axis_index("c")
  s = lax.axis_index("s")
  wid = s * NC + c
  pltpu.sync_copy(zrow_hbm, acc_sh.at[pl.ds(s * STRIPE, STRIPE), :])
  pltpu.sync_copy(ones_hbm, ones_v)
  pltpu.sync_copy(eps_hbm, eps_v)
  plsc.subcore_barrier()

  base = wid * RT

  def load_idx(i, b):
    off = pl.multiple_of(base + i * KC, 8)
    pltpu.async_copy(src_hbm.at[pl.ds(off, KC)], sidx[b], semI[b])
    pltpu.async_copy(dst_hbm.at[pl.ds(off, KC)], didx[b], semJ[b])

  load_idx(0, 0)
  load_idx(1, 1)

  def step(t, carry):
    for b in range(2):
      i = t * 2 + b
      off = pl.multiple_of(base + i * KC, 8)
      pltpu.make_async_copy(
          src_hbm.at[pl.ds(off, KC)], sidx[b], semI[b]).wait()
      pltpu.make_async_copy(
          dst_hbm.at[pl.ds(off, KC)], didx[b], semJ[b]).wait()
      pltpu.async_copy(ones_v, acc_sh.at[sidx[b]], semW[b], add=True)
      pltpu.async_copy(eps_v, acc_sh.at[didx[b]], semV[b], add=True)
      pltpu.make_async_copy(ones_v, acc_sh.at[sidx[b]], semW[b]).wait()
      pltpu.make_async_copy(eps_v, acc_sh.at[didx[b]], semV[b]).wait()

      @pl.when(i + 2 < ITERSC)
      def _():
        load_idx(i + 2, b)
    return carry

  lax.fori_loop(0, ITERSC // 2, step, 0)
  plsc.subcore_barrier()
  sl = pl.ds(s * STRIPE, STRIPE)
  pltpu.sync_copy(acc_sh.at[sl, :], acc_out.at[c, sl, :])



@functools.partial(
    pl.kernel,
    out_type=jax.ShapeDtypeStruct((R_PAD, C), f32),
    mesh=_mesh,
    scratch_types=[
        pltpu.VMEM((RT3_F,), i32),
        pltpu.VMEM((RT3_F,), i32),
        pltpu.VMEM((K3, C), f32),
        pltpu.VMEM((K3, C), f32),
        [pltpu.SemaphoreType.DMA] * 2,
        [pltpu.SemaphoreType.DMA] * 2,
        [pltpu.SemaphoreType.DMA] * 2,
    ],
)
def _sc_gather(a_hbm, b_hbm, src_hbm, dst_hbm, p_out,
               sidx, didx, pbuf0, pbuf1, semA, semB, semS):
  pbuf = [pbuf0, pbuf1]
  c = lax.axis_index("c")
  s = lax.axis_index("s")
  fast = c == FAST_CORE
  base = pl.multiple_of(s * PAIR_RT + jnp.where(fast, 0, RT3_F), 8)
  iters = jnp.where(fast, RT3_F // K3, RT3_S // K3)
  pltpu.sync_copy(src_hbm.at[pl.ds(base, RT3_S)], sidx.at[pl.ds(0, RT3_S)])
  pltpu.sync_copy(dst_hbm.at[pl.ds(base, RT3_S)], didx.at[pl.ds(0, RT3_S)])

  @pl.when(fast)
  def _():
    tail = pl.multiple_of(base + RT3_S, 8)
    pltpu.sync_copy(src_hbm.at[pl.ds(tail, RT3_F - RT3_S)],
                    sidx.at[pl.ds(RT3_S, RT3_F - RT3_S)])
    pltpu.sync_copy(dst_hbm.at[pl.ds(tail, RT3_F - RT3_S)],
                    didx.at[pl.ds(RT3_S, RT3_F - RT3_S)])

  def gather_a(i, b):
    pltpu.async_copy(a_hbm.at[sidx.at[pl.ds(i * K3, K3)]], pbuf[b], semA[b])

  gather_a(0, 0)
  gather_a(1, 1)

  def step(t, carry):
    for b in range(2):
      i = t * 2 + b
      isl = pl.ds(i * K3, K3)
      pltpu.make_async_copy(
          a_hbm.at[sidx.at[isl]], pbuf[b], semA[b]).wait()
      pltpu.async_copy(b_hbm.at[didx.at[isl]], pbuf[b], semB[b], add=True)
      pltpu.make_async_copy(
          b_hbm.at[didx.at[isl]], pbuf[b], semB[b]).wait()
      off = pl.multiple_of(base + i * K3, 8)
      pltpu.async_copy(pbuf[b], p_out.at[pl.ds(off, K3), :], semS[b])

      @pl.when(i + 2 < iters)
      def _():
        pltpu.make_async_copy(
            pbuf[b], p_out.at[pl.ds(off, K3), :], semS[b]).wait()
        gather_a(i + 2, b)
    return carry

  lax.fori_loop(0, iters // 2, step, 0)
  for b in range(2):
    i = iters - 2 + b
    off = pl.multiple_of(base + i * K3, 8)
    pltpu.make_async_copy(pbuf[b], p_out.at[pl.ds(off, K3), :], semS[b]).wait()



def _dot(a, b):
  return lax.dot_general(a, b, (((1,), (0,)), ((), ())),
                         preferred_element_type=f32)


def _fold_body(nsum_p_ref, cnt_ref, x_ref, g1_ref, bb1_ref, W1_ref,
               b1_ref, a_ref, b_ref):
  nsum = nsum_p_ref[0] + nsum_p_ref[1]
  acc = cnt_ref[0] + cnt_ref[1]
  cs = jnp.floor(acc)
  cd = jnp.floor((acc - cs) / CEPS + 0.5)
  x = x_ref[...]
  Rf = f32(R)
  sum_g = jnp.sum(cs * x, axis=0, keepdims=True)
  sumsq_g = jnp.sum(cs * (x * x), axis=0, keepdims=True)
  sum_n = jnp.sum(cd * nsum, axis=0, keepdims=True)
  sumsq_n = jnp.sum(cd * (nsum * nsum), axis=0, keepdims=True)
  m_g = sum_g / Rf
  v_g = sumsq_g / Rf - m_g * m_g
  m_n = sum_n / Rf
  v_n = sumsq_n / Rf - m_n * m_n
  g1 = g1_ref[...]
  bb1 = bb1_ref[...]
  s_g = g1[:, :C] * lax.rsqrt(v_g + EPS)
  s_n = g1[:, C:] * lax.rsqrt(v_n + EPS)
  c_g = bb1[:, :C] - m_g * s_g
  c_n = bb1[:, C:] - m_n * s_n
  W1t = W1_ref[:C, :]
  W1b = W1_ref[C:, :]
  b1p = b1_ref[...] + _dot(c_g, W1t) + _dot(c_n, W1b)
  a_ref[...] = _dot(x * s_g, W1t) + b1p
  b_ref[...] = _dot(nsum * s_n, W1b)


_tc_fold = pl.pallas_call(
    _fold_body,
    out_shape=(jax.ShapeDtypeStruct((N_PAD, C), f32),
               jax.ShapeDtypeStruct((N_PAD, C), f32)),
)



def _stats_body(p_ref, o_ref, h_ref):
  i = pl.program_id(0)

  @pl.when(i == 0)
  def _():
    o_ref[...] = jnp.zeros_like(o_ref)

  h = jnp.maximum(p_ref[...], 0.0)
  o_ref[0:1, :] += jnp.sum(h, axis=0, keepdims=True)
  o_ref[1:2, :] += jnp.sum(h * h, axis=0, keepdims=True)
  h_ref[...] = h.astype(jnp.bfloat16)


_tc_stats = pl.pallas_call(
    _stats_body,
    grid=(NBLK,),
    in_specs=[pl.BlockSpec((BR, C), lambda i: (i, 0))],
    out_specs=(pl.BlockSpec((2, C), lambda i: (0, 0)),
               pl.BlockSpec((BR, C), lambda i: (i, 0))),
    out_shape=(jax.ShapeDtypeStruct((2, C), f32),
               jax.ShapeDtypeStruct((R, C), jnp.bfloat16)),
)



def _final_body(h_ref, st_ref, g2_ref, bb2_ref, W2_ref, b2_ref, o_ref):
  Rf = f32(R)
  m2 = st_ref[0:1, :] / Rf
  v2 = st_ref[1:2, :] / Rf - m2 * m2
  s2 = g2_ref[...] * lax.rsqrt(v2 + EPS)
  c2 = bb2_ref[...] - m2 * s2
  h = h_ref[...].astype(f32)
  hn = h * s2 + c2
  o_ref[...] = jnp.maximum(_dot(hn, W2_ref[...]) + b2_ref[...], 0.0)


_tc_final = pl.pallas_call(
    _final_body,
    grid=(NBLK,),
    in_specs=[
        pl.BlockSpec((BR, C), lambda i: (i, 0)),
        pl.BlockSpec((2, C), lambda i: (0, 0)),
        pl.BlockSpec((1, C), lambda i: (0, 0)),
        pl.BlockSpec((1, C), lambda i: (0, 0)),
        pl.BlockSpec((C, C), lambda i: (0, 0)),
        pl.BlockSpec((1, C), lambda i: (0, 0)),
    ],
    out_specs=pl.BlockSpec((BR, C), lambda i: (i, 0)),
    out_shape=jax.ShapeDtypeStruct((R, C), f32),
)



@jax.jit
def kernel(x, edge_index, bn1_g, bn1_b, W1, b1, bn2_g, bn2_b, W2, b2):
  src = edge_index[0].astype(i32)
  dst = edge_index[1].astype(i32)
  self_idx = jnp.arange(N, dtype=i32)
  padv = jnp.full((R_PAD - R,), N, i32)
  src_all = jnp.concatenate([src, self_idx, padv])
  dst_all = jnp.concatenate([dst, self_idx, padv])
  x_pad = jnp.pad(x, ((0, N_PAD - N), (0, 0)))

  zrow = jnp.zeros((STRIPE, C), f32)
  ones_h = jnp.ones((KC, C), f32)

  eps_h = jnp.full((KC, C), CEPS, f32)
  nsum_parts = _sc_nsum(x_pad, src_all, dst_all, zrow)
  cnt_parts = _sc_cnt(src_all, dst_all, ones_h, eps_h, zrow)
  cnt = cnt_parts[:, :, 0:1]

  A_pad, B_pad = _tc_fold(
      nsum_parts, cnt, x_pad,
      bn1_g.reshape(1, 2 * C), bn1_b.reshape(1, 2 * C),
      W1, b1.reshape(1, C))

  P = _sc_gather(A_pad, B_pad, src_all, dst_all)

  stats, H = _tc_stats(P)

  out = _tc_final(H, stats, bn2_g.reshape(1, C), bn2_b.reshape(1, C),
                  W2, b2.reshape(1, C))
  return out

# --- scband reference (transcript-rebuilt; emitter-appended) ---
"""Pipeline reference for scband-convolutional-layer-5875515261084 (READ-ONLY COPY).

The authoritative reference and input builder live on the scoring server;
editing this copy changes nothing except your own understanding.
"""

import jax, jax.numpy as jnp
import numpy as np

N_NODES = 10000
N_EDGES = 320000
C_IN = 128
C_OUT = 128


def setup_inputs(seed: int = 0) -> dict:
    key = jax.random.key(seed)
    ks = jax.random.split(key, 10)
    x = jax.random.normal(ks[0], (N_NODES, C_IN), dtype=jnp.float32)
    edge_index = jax.random.randint(ks[1], (2, N_EDGES), 0, N_NODES, dtype=jnp.int64)
    # BatchNorm1d(C_IN*2) affine params
    bn1_g = jnp.ones((C_IN * 2,), dtype=jnp.float32)
    bn1_b = jnp.zeros((C_IN * 2,), dtype=jnp.float32)
    # Linear(C_IN*2 -> C_IN)
    W1 = jax.random.normal(ks[2], (C_IN * 2, C_IN), dtype=jnp.float32) * (1.0 / np.sqrt(C_IN * 2))
    b1 = jnp.zeros((C_IN,), dtype=jnp.float32)
    # BatchNorm1d(C_IN)
    bn2_g = jnp.ones((C_IN,), dtype=jnp.float32)
    bn2_b = jnp.zeros((C_IN,), dtype=jnp.float32)
    # Linear(C_IN -> C_OUT)
    W2 = jax.random.normal(ks[3], (C_IN, C_OUT), dtype=jnp.float32) * (1.0 / np.sqrt(C_IN))
    b2 = jnp.zeros((C_OUT,), dtype=jnp.float32)
    return {"x": x, "edge_index": edge_index, "bn1_g": bn1_g, "bn1_b": bn1_b,
            "W1": W1, "b1": b1, "bn2_g": bn2_g, "bn2_b": bn2_b, "W2": W2, "b2": b2}


def reference(x, edge_index, bn1_g, bn1_b, W1, b1, bn2_g, bn2_b, W2, b2):
    # ptens transfer1 of node-level ptensors1 to 1-hop neighborhoods:
    # each row corresponds to an (nhood i, atom a in N(i) U {i}) pair.
    # Two linmaps per channel: gathered value x[a] and broadcast of the
    # neighborhood-sum of x over the target reference domain -> 2*C_IN cols.
    N = x.shape[0]
    src = edge_index[0]
    dst = edge_index[1]
    self_idx = jnp.arange(N, dtype=edge_index.dtype)
    src_all = jnp.concatenate([src, self_idx])  # atom a per row
    dst_all = jnp.concatenate([dst, self_idx])  # nhood root i per row
    gathered = jnp.take(x, src_all, axis=0)                              # gather (SparseCore)
    neigh_sum = jax.ops.segment_sum(gathered, dst_all, num_segments=N)   # scatter-add
    rows = jnp.concatenate([gathered, jnp.take(neigh_sum, dst_all, axis=0)], axis=1)
    # BatchNorm1d (training mode, batch statistics)
    m1 = jnp.mean(rows, axis=0)
    v1 = jnp.var(rows, axis=0)
    h = (rows - m1) / jnp.sqrt(v1 + 1e-5) * bn1_g + bn1_b
    h = jax.nn.relu(h @ W1 + b1)
    m2 = jnp.mean(h, axis=0)
    v2 = jnp.var(h, axis=0)
    h = (h - m2) / jnp.sqrt(v2 + 1e-5) * bn2_g + bn2_b
    h = jax.nn.relu(h @ W2 + b2)
    return h

if __name__ == "__main__":
    import jax
    _d = setup_inputs()
    print(jax.jit(kernel)(*tuple(_d.values())))

</pallas_src>

<mosaic_0001>
#map = affine_map<(d0, d1) -> (0, 0)>
#map1 = affine_map<(d0, d1) -> (0)>
module attributes {stable_mosaic.version = 14 : i64} {
  func.func @_sc_gather(%arg0: i32, %arg1: i32, %arg2: memref<10240x128xf32, #tpu.memory_space<hbm>>, %arg3: memref<10240x128xf32, #tpu.memory_space<hbm>>, %arg4: memref<332800xi32, #tpu.memory_space<hbm>>, %arg5: memref<332800xi32, #tpu.memory_space<hbm>>, %arg6: memref<332800x128xf32, #tpu.memory_space<hbm>>, %arg7: memref<13600xi32, #tpu.memory_space<vmem>>, %arg8: memref<13600xi32, #tpu.memory_space<vmem>>, %arg9: memref<400x128xf32, #tpu.memory_space<vmem>>, %arg10: memref<400x128xf32, #tpu.memory_space<vmem>>, %arg11: memref<!tpu.dma_semaphore, #tpu.memory_space<semaphore_mem>>, %arg12: memref<!tpu.dma_semaphore, #tpu.memory_space<semaphore_mem>>, %arg13: memref<!tpu.dma_semaphore, #tpu.memory_space<semaphore_mem>>, %arg14: memref<!tpu.dma_semaphore, #tpu.memory_space<semaphore_mem>>, %arg15: memref<!tpu.dma_semaphore, #tpu.memory_space<semaphore_mem>>, %arg16: memref<!tpu.dma_semaphore, #tpu.memory_space<semaphore_mem>>) attributes {dimension_semantics = [#tpu.dimension_semantics<core_parallel>, #tpu.dimension_semantics<subcore_parallel>], iteration_bounds = array<i64: 2, 16>, scalar_prefetch = 0 : i64, scratch_operands = 10 : i64, tpu.core_type = #tpu.core_type<sc_vector_subcore>, window_params = [{transform_indices = #map}, {transform_indices = #map}, {transform_indices = #map1}, {transform_indices = #map1}, {transform_indices = #map}]} {
    %eq3A = arith.constant 0 : i32
    %eq3A_0 = arith.cmpi eq, %arg0, %eq3A : i32
    %mul3A = arith.constant 20800 : i32
    %mul3A_1 = arith.muli %arg1, %mul3A : i32
    %jit3A = arith.constant 0 : i32
    %jit3A_2 = arith.constant 13600 : i32
    %select_n3A = arith.select %eq3A_0, %jit3A, %jit3A_2 : i32
    %add3A = arith.addi %mul3A_1, %select_n3A : i32
    %multiple_of3A = tpu.assume_multiple %add3A, 8 : i32
    %jit3A_3 = arith.constant 34 : i32
    %jit3A_4 = arith.constant 18 : i32
    %select_n3A_5 = arith.select %eq3A_0, %jit3A_3, %jit3A_4 : i32
    "tpu.region"() ({
      %run_scoped3A = tpu.sem_alloc : memref<!tpu.dma_semaphore, #tpu.memory_space<semaphore_mem>>
      %dma_start3A_66 = arith.constant 0 : i32
      %dma_start3A_67 = tpu.memref_slice %arg7[%dma_start3A_66] : memref<13600xi32, #tpu.memory_space<vmem>> -> memref<7200xi32, #tpu.memory_space<vmem>>
      %dma_start3A_68 = tpu.memref_slice %arg4[%multiple_of3A] : memref<332800xi32, #tpu.memory_space<hbm>> -> memref<7200xi32, #tpu.memory_space<hbm>>
      %dma_start3A_69 = arith.constant 0 : i32
      %dma_start3A_70 = tpu.memref_slice %arg7[%dma_start3A_69] : memref<13600xi32, #tpu.memory_space<vmem>> -> memref<7200xi32, #tpu.memory_space<vmem>>
      %dma_start3A_71 = tpu.memref_slice %arg4[%multiple_of3A] : memref<332800xi32, #tpu.memory_space<hbm>> -> memref<7200xi32, #tpu.memory_space<hbm>>
      tpu.enqueue_dma source(%dma_start3A_71 : memref<7200xi32, #tpu.memory_space<hbm>>) target(%dma_start3A_70 : memref<7200xi32, #tpu.memory_space<vmem>>) target_semaphore(%run_scoped3A : memref<!tpu.dma_semaphore, #tpu.memory_space<semaphore_mem>>)
      %dma_wait3A_72 = arith.constant 0 : i32
      %dma_wait3A_73 = tpu.memref_slice %arg7[%dma_wait3A_72] : memref<13600xi32, #tpu.memory_space<vmem>> -> memref<7200xi32, #tpu.memory_space<vmem>>
      %dma_wait3A_74 = tpu.memref_slice %arg4[%multiple_of3A] : memref<332800xi32, #tpu.memory_space<hbm>> -> memref<7200xi32, #tpu.memory_space<hbm>>
      %dma_wait3A_75 = arith.constant 0 : i32
      %dma_wait3A_76 = tpu.memref_slice %arg7[%dma_wait3A_75] : memref<13600xi32, #tpu.memory_space<vmem>> -> memref<7200xi32, #tpu.memory_space<vmem>>
      %dma_wait3A_77 = tpu.memref_slice %arg4[%multiple_of3A] : memref<332800xi32, #tpu.memory_space<hbm>> -> memref<7200xi32, #tpu.memory_space<hbm>>
      tpu.wait_dma2 semaphore(%run_scoped3A : memref<!tpu.dma_semaphore, #tpu.memory_space<semaphore_mem>>) src(%dma_wait3A_77 : memref<7200xi32, #tpu.memory_space<hbm>>) dst(%dma_wait3A_76 : memref<7200xi32, #tpu.memory_space<vmem>>)
      tpu.yield
    }) : () -> ()
    "tpu.region"() ({
      %run_scoped3A = tpu.sem_alloc : memref<!tpu.dma_semaphore, #tpu.memory_space<semaphore_mem>>
      %dma_start3A_66 = arith.constant 0 : i32
      %dma_start3A_67 = tpu.memref_slice %arg8[%dma_start3A_66] : memref<13600xi32, #tpu.memory_space<vmem>> -> memref<7200xi32, #tpu.memory_space<vmem>>
      %dma_start3A_68 = tpu.memref_slice %arg5[%multiple_of3A] : memref<332800xi32, #tpu.memory_space<hbm>> -> memref<7200xi32, #tpu.memory_space<hbm>>
      %dma_start3A_69 = arith.constant 0 : i32
      %dma_start3A_70 = tpu.memref_slice %arg8[%dma_start3A_69] : memref<13600xi32, #tpu.memory_space<vmem>> -> memref<7200xi32, #tpu.memory_space<vmem>>
      %dma_start3A_71 = tpu.memref_slice %arg5[%multiple_of3A] : memref<332800xi32, #tpu.memory_space<hbm>> -> memref<7200xi32, #tpu.memory_space<hbm>>
      tpu.enqueue_dma source(%dma_start3A_71 : memref<7200xi32, #tpu.memory_space<hbm>>) target(%dma_start3A_70 : memref<7200xi32, #tpu.memory_space<vmem>>) target_semaphore(%run_scoped3A : memref<!tpu.dma_semaphore, #tpu.memory_space<semaphore_mem>>)
      %dma_wait3A_72 = arith.constant 0 : i32
      %dma_wait3A_73 = tpu.memref_slice %arg8[%dma_wait3A_72] : memref<13600xi32, #tpu.memory_space<vmem>> -> memref<7200xi32, #tpu.memory_space<vmem>>
      %dma_wait3A_74 = tpu.memref_slice %arg5[%multiple_of3A] : memref<332800xi32, #tpu.memory_space<hbm>> -> memref<7200xi32, #tpu.memory_space<hbm>>
      %dma_wait3A_75 = arith.constant 0 : i32
      %dma_wait3A_76 = tpu.memref_slice %arg8[%dma_wait3A_75] : memref<13600xi32, #tpu.memory_space<vmem>> -> memref<7200xi32, #tpu.memory_space<vmem>>
      %dma_wait3A_77 = tpu.memref_slice %arg5[%multiple_of3A] : memref<332800xi32, #tpu.memory_space<hbm>> -> memref<7200xi32, #tpu.memory_space<hbm>>
      tpu.wait_dma2 semaphore(%run_scoped3A : memref<!tpu.dma_semaphore, #tpu.memory_space<semaphore_mem>>) src(%dma_wait3A_77 : memref<7200xi32, #tpu.memory_space<hbm>>) dst(%dma_wait3A_76 : memref<7200xi32, #tpu.memory_space<vmem>>)
      tpu.yield
    }) : () -> ()
    %convert_element_type3A = arith.extui %eq3A_0 : i1 to i32
    %cond3A = arith.constant 0 : i32
    %cond3A_6 = arith.cmpi ne, %convert_element_type3A, %cond3A : i32
    scf.if %cond3A_6 {
      %add3A_66 = arith.constant 7200 : i32
      %add3A_67 = arith.addi %multiple_of3A, %add3A_66 : i32
      %multiple_of3A_68 = tpu.assume_multiple %add3A_67, 8 : i32
      "tpu.region"() ({
        %run_scoped3A = tpu.sem_alloc : memref<!tpu.dma_semaphore, #tpu.memory_space<semaphore_mem>>
        %dma_start3A_69 = arith.constant 7200 : i32
        %dma_start3A_70 = tpu.memref_slice %arg7[%dma_start3A_69] : memref<13600xi32, #tpu.memory_space<vmem>> -> memref<6400xi32, #tpu.memory_space<vmem>>
        %dma_start3A_71 = tpu.memref_slice %arg4[%multiple_of3A_68] : memref<332800xi32, #tpu.memory_space<hbm>> -> memref<6400xi32, #tpu.memory_space<hbm>>
        %dma_start3A_72 = arith.constant 7200 : i32
        %dma_start3A_73 = tpu.memref_slice %arg7[%dma_start3A_72] : memref<13600xi32, #tpu.memory_space<vmem>> -> memref<6400xi32, #tpu.memory_space<vmem>>
        %dma_start3A_74 = tpu.memref_slice %arg4[%multiple_of3A_68] : memref<332800xi32, #tpu.memory_space<hbm>> -> memref<6400xi32, #tpu.memory_space<hbm>>
        tpu.enqueue_dma source(%dma_start3A_74 : memref<6400xi32, #tpu.memory_space<hbm>>) target(%dma_start3A_73 : memref<6400xi32, #tpu.memory_space<vmem>>) target_semaphore(%run_scoped3A : memref<!tpu.dma_semaphore, #tpu.memory_space<semaphore_mem>>)
        %dma_wait3A_75 = arith.constant 7200 : i32
        %dma_wait3A_76 = tpu.memref_slice %arg7[%dma_wait3A_75] : memref<13600xi32, #tpu.memory_space<vmem>> -> memref<6400xi32, #tpu.memory_space<vmem>>
        %dma_wait3A_77 = tpu.memref_slice %arg4[%multiple_of3A_68] : memref<332800xi32, #tpu.memory_space<hbm>> -> memref<6400xi32, #tpu.memory_space<hbm>>
        %dma_wait3A_78 = arith.constant 7200 : i32
        %dma_wait3A_79 = tpu.memref_slice %arg7[%dma_wait3A_78] : memref<13600xi32, #tpu.memory_space<vmem>> -> memref<6400xi32, #tpu.memory_space<vmem>>
        %dma_wait3A_80 = tpu.memref_slice %arg4[%multiple_of3A_68] : memref<332800xi32, #tpu.memory_space<hbm>> -> memref<6400xi32, #tpu.memory_space<hbm>>
        tpu.wait_dma2 semaphore(%run_scoped3A : memref<!tpu.dma_semaphore, #tpu.memory_space<semaphore_mem>>) src(%dma_wait3A_80 : memref<6400xi32, #tpu.memory_space<hbm>>) dst(%dma_wait3A_79 : memref<6400xi32, #tpu.memory_space<vmem>>)
        tpu.yield
      }) : () -> ()
      "tpu.region"() ({
        %run_scoped3A = tpu.sem_alloc : memref<!tpu.dma_semaphore, #tpu.memory_space<semaphore_mem>>
        %dma_start3A_69 = arith.constant 7200 : i32
        %dma_start3A_70 = tpu.memref_slice %arg8[%dma_start3A_69] : memref<13600xi32, #tpu.memory_space<vmem>> -> memref<6400xi32, #tpu.memory_space<vmem>>
        %dma_start3A_71 = tpu.memref_slice %arg5[%multiple_of3A_68] : memref<332800xi32, #tpu.memory_space<hbm>> -> memref<6400xi32, #tpu.memory_space<hbm>>
        %dma_start3A_72 = arith.constant 7200 : i32
        %dma_start3A_73 = tpu.memref_slice %arg8[%dma_start3A_72] : memref<13600xi32, #tpu.memory_space<vmem>> -> memref<6400xi32, #tpu.memory_space<vmem>>
        %dma_start3A_74 = tpu.memref_slice %arg5[%multiple_of3A_68] : memref<332800xi32, #tpu.memory_space<hbm>> -> memref<6400xi32, #tpu.memory_space<hbm>>
        tpu.enqueue_dma source(%dma_start3A_74 : memref<6400xi32, #tpu.memory_space<hbm>>) target(%dma_start3A_73 : memref<6400xi32, #tpu.memory_space<vmem>>) target_semaphore(%run_scoped3A : memref<!tpu.dma_semaphore, #tpu.memory_space<semaphore_mem>>)
        %dma_wait3A_75 = arith.constant 7200 : i32
        %dma_wait3A_76 = tpu.memref_slice %arg8[%dma_wait3A_75] : memref<13600xi32, #tpu.memory_space<vmem>> -> memref<6400xi32, #tpu.memory_space<vmem>>
        %dma_wait3A_77 = tpu.memref_slice %arg5[%multiple_of3A_68] : memref<332800xi32, #tpu.memory_space<hbm>> -> memref<6400xi32, #tpu.memory_space<hbm>>
        %dma_wait3A_78 = arith.constant 7200 : i32
        %dma_wait3A_79 = tpu.memref_slice %arg8[%dma_wait3A_78] : memref<13600xi32, #tpu.memory_space<vmem>> -> memref<6400xi32, #tpu.memory_space<vmem>>
        %dma_wait3A_80 = tpu.memref_slice %arg5[%multiple_of3A_68] : memref<332800xi32, #tpu.memory_space<hbm>> -> memref<6400xi32, #tpu.memory_space<hbm>>
        tpu.wait_dma2 semaphore(%run_scoped3A : memref<!tpu.dma_semaphore, #tpu.memory_space<semaphore_mem>>) src(%dma_wait3A_80 : memref<6400xi32, #tpu.memory_space<hbm>>) dst(%dma_wait3A_79 : memref<6400xi32, #tpu.memory_space<vmem>>)
        tpu.yield
      }) : () -> ()
    } else {
    }
    %dma_start3A = arith.constant 0 : i32
    %dma_start3A_7 = tpu.memref_slice %arg7[%dma_start3A] : memref<13600xi32, #tpu.memory_space<vmem>> -> memref<400xi32, #tpu.memory_space<vmem>>
    %dma_start3A_8 = arith.constant 0 : i32
    %dma_start3A_9 = arith.constant 0 : i32
    %dma_start3A_10 = tpu.memref_slice %arg2[%dma_start3A_8, %dma_start3A_9] : memref<10240x128xf32, #tpu.memory_space<hbm>> -> memref<10240x128xf32, #tpu.memory_space<hbm>>
    tpu.enqueue_indirect_dma source(%dma_start3A_10 : memref<10240x128xf32, #tpu.memory_space<hbm>>) target(%arg9 : memref<400x128xf32, #tpu.memory_space<vmem>>) offsets(%dma_start3A_7 : memref<400xi32, #tpu.memory_space<vmem>>) semaphore(%arg11 : memref<!tpu.dma_semaphore, #tpu.memory_space<semaphore_mem>>)
    %dma_start3A_11 = arith.constant 400 : i32
    %dma_start3A_12 = tpu.memref_slice %arg7[%dma_start3A_11] : memref<13600xi32, #tpu.memory_space<vmem>> -> memref<400xi32, #tpu.memory_space<vmem>>
    %dma_start3A_13 = arith.constant 0 : i32
    %dma_start3A_14 = arith.constant 0 : i32
    %dma_start3A_15 = tpu.memref_slice %arg2[%dma_start3A_13, %dma_start3A_14] : memref<10240x128xf32, #tpu.memory_space<hbm>> -> memref<10240x128xf32, #tpu.memory_space<hbm>>
    tpu.enqueue_indirect_dma source(%dma_start3A_15 : memref<10240x128xf32, #tpu.memory_space<hbm>>) target(%arg10 : memref<400x128xf32, #tpu.memory_space<vmem>>) offsets(%dma_start3A_12 : memref<400xi32, #tpu.memory_space<vmem>>) semaphore(%arg12 : memref<!tpu.dma_semaphore, #tpu.memory_space<semaphore_mem>>)
    %jit3A_16 = arith.constant 2 : i32
    %div3A = arith.divsi %select_n3A_5, %jit3A_16 : i32
    %sign3A = arith.constant 0 : i32
    %sign3A_17 = arith.cmpi sgt, %select_n3A_5, %sign3A : i32
    %sign3A_18 = arith.extui %sign3A_17 : i1 to i32
    %sign3A_19 = arith.constant 0 : i32
    %sign3A_20 = arith.cmpi slt, %select_n3A_5, %sign3A_19 : i32
    %sign3A_21 = arith.extui %sign3A_20 : i1 to i32
    %sign3A_22 = arith.subi %sign3A_18, %sign3A_21 : i32
    %sign3A_23 = arith.constant 0 : i32
    %sign3A_24 = arith.cmpi sgt, %jit3A_16, %sign3A_23 : i32
    %sign3A_25 = arith.extui %sign3A_24 : i1 to i32
    %sign3A_26 = arith.constant 0 : i32
    %sign3A_27 = arith.cmpi slt, %jit3A_16, %sign3A_26 : i32
    %sign3A_28 = arith.extui %sign3A_27 : i1 to i32
    %sign3A_29 = arith.subi %sign3A_25, %sign3A_28 : i32
    %ne3A = arith.cmpi ne, %sign3A_22, %sign3A_29 : i32
    %rem3A = arith.remsi %select_n3A_5, %jit3A_16 : i32
    %ne3A_30 = arith.constant 0 : i32
    %ne3A_31 = arith.cmpi ne, %rem3A, %ne3A_30 : i32
    %and3A = arith.andi %ne3A, %ne3A_31 : i1
    %sub3A = arith.constant 1 : i32
    %sub3A_32 = arith.subi %div3A, %sub3A : i32
    %select_n3A_33 = arith.select %and3A, %sub3A_32, %div3A : i32
    %while3A = arith.constant 0 : i32
    %while3A_34 = arith.constant 0 : i32
    %while3A_35 = arith.subi %select_n3A_33, %while3A_34 : i32
    %while3A_36 = arith.addi %while3A_34, %while3A_35 : i32
    %while3A_37 = arith.constant 1 : i32
    %while3A_38 = arith.divsi %while3A_35, %while3A_37 : i32
    %while3A_39 = arith.muli %while3A_38, %while3A_37 : i32
    %while3A_40 = arith.addi %while3A_34, %while3A_39 : i32
    %while3A_41 = arith.constant 1 : i32
    scf.for %while3A_66 = %while3A_34 to %while3A_40 step %while3A_41  : i32 {
      %mul3A_67 = arith.constant 2 : i32
      %mul3A_68 = arith.muli %while3A_66, %mul3A_67 : i32
      %add3A_69 = arith.constant 0 : i32
      %add3A_70 = arith.addi %mul3A_68, %add3A_69 : i32
      %mul3A_71 = arith.constant 400 : i32
      %mul3A_72 = arith.muli %add3A_70, %mul3A_71 : i32
      %dma_wait3A_73 = tpu.memref_slice %arg7[%mul3A_72] : memref<13600xi32, #tpu.memory_space<vmem>> -> memref<400xi32, #tpu.memory_space<vmem>>
      %dma_wait3A_74 = arith.constant 0 : i32
      %dma_wait3A_75 = arith.constant 0 : i32
      %dma_wait3A_76 = tpu.memref_slice %arg2[%dma_wait3A_74, %dma_wait3A_75] : memref<10240x128xf32, #tpu.memory_space<hbm>> -> memref<10240x128xf32, #tpu.memory_space<hbm>>
      tpu.wait_indirect_dma semaphore(%arg11 : memref<!tpu.dma_semaphore, #tpu.memory_space<semaphore_mem>>) src(%dma_wait3A_76 : memref<10240x128xf32, #tpu.memory_space<hbm>>) dst(%arg9 : memref<400x128xf32, #tpu.memory_space<vmem>>)
      %dma_start3A_77 = tpu.memref_slice %arg8[%mul3A_72] : memref<13600xi32, #tpu.memory_space<vmem>> -> memref<400xi32, #tpu.memory_space<vmem>>
      %dma_start3A_78 = arith.constant 0 : i32
      %dma_start3A_79 = arith.constant 0 : i32
      %dma_start3A_80 = tpu.memref_slice %arg3[%dma_start3A_78, %dma_start3A_79] : memref<10240x128xf32, #tpu.memory_space<hbm>> -> memref<10240x128xf32, #tpu.memory_space<hbm>>
      tpu.enqueue_indirect_dma source(%dma_start3A_80 : memref<10240x128xf32, #tpu.memory_space<hbm>>) target(%arg9 : memref<400x128xf32, #tpu.memory_space<vmem>>) offsets(%dma_start3A_77 : memref<400xi32, #tpu.memory_space<vmem>>) semaphore(%arg13 : memref<!tpu.dma_semaphore, #tpu.memory_space<semaphore_mem>>) {add = true}
      %dma_wait3A_81 = tpu.memref_slice %arg8[%mul3A_72] : memref<13600xi32, #tpu.memory_space<vmem>> -> memref<400xi32, #tpu.memory_space<vmem>>
      %dma_wait3A_82 = arith.constant 0 : i32
      %dma_wait3A_83 = arith.constant 0 : i32
      %dma_wait3A_84 = tpu.memref_slice %arg3[%dma_wait3A_82, %dma_wait3A_83] : memref<10240x128xf32, #tpu.memory_space<hbm>> -> memref<10240x128xf32, #tpu.memory_space<hbm>>
      tpu.wait_indirect_dma semaphore(%arg13 : memref<!tpu.dma_semaphore, #tpu.memory_space<semaphore_mem>>) src(%dma_wait3A_84 : memref<10240x128xf32, #tpu.memory_space<hbm>>) dst(%arg9 : memref<400x128xf32, #tpu.memory_space<vmem>>)
      %mul3A_85 = arith.constant 400 : i32
      %mul3A_86 = arith.muli %add3A_70, %mul3A_85 : i32
      %add3A_87 = arith.addi %multiple_of3A, %mul3A_86 : i32
      %multiple_of3A_88 = tpu.assume_multiple %add3A_87, 8 : i32
      %dma_start3A_89 = arith.constant 0 : i32
      %dma_start3A_90 = tpu.memref_slice %arg6[%multiple_of3A_88, %dma_start3A_89] : memref<332800x128xf32, #tpu.memory_space<hbm>> -> memref<400x128xf32, #tpu.memory_space<hbm>>
      %dma_start3A_91 = arith.constant 0 : i32
      %dma_start3A_92 = tpu.memref_slice %arg6[%multiple_of3A_88, %dma_start3A_91] : memref<332800x128xf32, #tpu.memory_space<hbm>> -> memref<400x128xf32, #tpu.memory_space<hbm>>
      tpu.enqueue_dma source(%arg9 : memref<400x128xf32, #tpu.memory_space<vmem>>) target(%dma_start3A_92 : memref<400x128xf32, #tpu.memory_space<hbm>>) target_semaphore(%arg15 : memref<!tpu.dma_semaphore, #tpu.memory_space<semaphore_mem>>)
      %add3A_93 = arith.constant 2 : i32
      %add3A_94 = arith.addi %add3A_70, %add3A_93 : i32
      %lt3A = arith.cmpi slt, %add3A_94, %select_n3A_5 : i32
      %convert_element_type3A_95 = arith.extui %lt3A : i1 to i32
      %cond3A_96 = arith.constant 0 : i32
      %cond3A_97 = arith.cmpi ne, %convert_element_type3A_95, %cond3A_96 : i32
      scf.if %cond3A_97 {
        %dma_wait3A_130 = arith.constant 0 : i32
        %dma_wait3A_131 = tpu.memref_slice %arg6[%multiple_of3A_88, %dma_wait3A_130] : memref<332800x128xf32, #tpu.memory_space<hbm>> -> memref<400x128xf32, #tpu.memory_space<hbm>>
        %dma_wait3A_132 = arith.constant 0 : i32
        %dma_wait3A_133 = tpu.memref_slice %arg6[%multiple_of3A_88, %dma_wait3A_132] : memref<332800x128xf32, #tpu.memory_space<hbm>> -> memref<400x128xf32, #tpu.memory_space<hbm>>
        tpu.wait_dma2 semaphore(%arg15 : memref<!tpu.dma_semaphore, #tpu.memory_space<semaphore_mem>>) src(%arg9 : memref<400x128xf32, #tpu.memory_space<vmem>>) dst(%dma_wait3A_133 : memref<400x128xf32, #tpu.memory_space<hbm>>)
        %add3A_134 = arith.constant 2 : i32
        %add3A_135 = arith.addi %add3A_70, %add3A_134 : i32
        %mul3A_136 = arith.constant 400 : i32
        %mul3A_137 = arith.muli %add3A_135, %mul3A_136 : i32
        %dma_start3A_138 = tpu.memref_slice %arg7[%mul3A_137] : memref<13600xi32, #tpu.memory_space<vmem>> -> memref<400xi32, #tpu.memory_space<vmem>>
        %dma_start3A_139 = arith.constant 0 : i32
        %dma_start3A_140 = arith.constant 0 : i32
        %dma_start3A_141 = tpu.memref_slice %arg2[%dma_start3A_139, %dma_start3A_140] : memref<10240x128xf32, #tpu.memory_space<hbm>> -> memref<10240x128xf32, #tpu.memory_space<hbm>>
        tpu.enqueue_indirect_dma source(%dma_start3A_141 : memref<10240x128xf32, #tpu.memory_space<hbm>>) target(%arg9 : memref<400x128xf32, #tpu.memory_space<vmem>>) offsets(%dma_start3A_138 : memref<400xi32, #tpu.memory_space<vmem>>) semaphore(%arg11 : memref<!tpu.dma_semaphore, #tpu.memory_space<semaphore_mem>>)
      } else {
      }
      %mul3A_98 = arith.constant 2 : i32
      %mul3A_99 = arith.muli %while3A_66, %mul3A_98 : i32
      %add3A_100 = arith.constant 1 : i32
      %add3A_101 = arith.addi %mul3A_99, %add3A_100 : i32
      %mul3A_102 = arith.constant 400 : i32
      %mul3A_103 = arith.muli %add3A_101, %mul3A_102 : i32
      %dma_wait3A_104 = tpu.memref_slice %arg7[%mul3A_103] : memref<13600xi32, #tpu.memory_space<vmem>> -> memref<400xi32, #tpu.memory_space<vmem>>
      %dma_wait3A_105 = arith.constant 0 : i32
      %dma_wait3A_106 = arith.constant 0 : i32
      %dma_wait3A_107 = tpu.memref_slice %arg2[%dma_wait3A_105, %dma_wait3A_106] : memref<10240x128xf32, #tpu.memory_space<hbm>> -> memref<10240x128xf32, #tpu.memory_space<hbm>>
      tpu.wait_indirect_dma semaphore(%arg12 : memref<!tpu.dma_semaphore, #tpu.memory_space<semaphore_mem>>) src(%dma_wait3A_107 : memref<10240x128xf32, #tpu.memory_space<hbm>>) dst(%arg10 : memref<400x128xf32, #tpu.memory_space<vmem>>)
      %dma_start3A_108 = tpu.memref_slice %arg8[%mul3A_103] : memref<13600xi32, #tpu.memory_space<vmem>> -> memref<400xi32, #tpu.memory_space<vmem>>
      %dma_start3A_109 = arith.constant 0 : i32
      %dma_start3A_110 = arith.constant 0 : i32
      %dma_start3A_111 = tpu.memref_slice %arg3[%dma_start3A_109, %dma_start3A_110] : memref<10240x128xf32, #tpu.memory_space<hbm>> -> memref<10240x128xf32, #tpu.memory_space<hbm>>
      tpu.enqueue_indirect_dma source(%dma_start3A_111 : memref<10240x128xf32, #tpu.memory_space<hbm>>) target(%arg10 : memref<400x128xf32, #tpu.memory_space<vmem>>) offsets(%dma_start3A_108 : memref<400xi32, #tpu.memory_space<vmem>>) semaphore(%arg14 : memref<!tpu.dma_semaphore, #tpu.memory_space<semaphore_mem>>) {add = true}
      %dma_wait3A_112 = tpu.memref_slice %arg8[%mul3A_103] : memref<13600xi32, #tpu.memory_space<vmem>> -> memref<400xi32, #tpu.memory_space<vmem>>
      %dma_wait3A_113 = arith.constant 0 : i32
      %dma_wait3A_114 = arith.constant 0 : i32
      %dma_wait3A_115 = tpu.memref_slice %arg3[%dma_wait3A_113, %dma_wait3A_114] : memref<10240x128xf32, #tpu.memory_space<hbm>> -> memref<10240x128xf32, #tpu.memory_space<hbm>>
      tpu.wait_indirect_dma semaphore(%arg14 : memref<!tpu.dma_semaphore, #tpu.memory_space<semaphore_mem>>) src(%dma_wait3A_115 : memref<10240x128xf32, #tpu.memory_space<hbm>>) dst(%arg10 : memref<400x128xf32, #tpu.memory_space<vmem>>)
      %mul3A_116 = arith.constant 400 : i32
      %mul3A_117 = arith.muli %add3A_101, %mul3A_116 : i32
      %add3A_118 = arith.addi %multiple_of3A, %mul3A_117 : i32
      %multiple_of3A_119 = tpu.assume_multiple %add3A_118, 8 : i32
      %dma_start3A_120 = arith.constant 0 : i32
      %dma_start3A_121 = tpu.memref_slice %arg6[%multiple_of3A_119, %dma_start3A_120] : memref<332800x128xf32, #tpu.memory_space<hbm>> -> memref<400x128xf32, #tpu.memory_space<hbm>>
      %dma_start3A_122 = arith.constant 0 : i32
      %dma_start3A_123 = tpu.memref_slice %arg6[%multiple_of3A_119, %dma_start3A_122] : memref<332800x128xf32, #tpu.memory_space<hbm>> -> memref<400x128xf32, #tpu.memory_space<hbm>>
      tpu.enqueue_dma source(%arg10 : memref<400x128xf32, #tpu.memory_space<vmem>>) target(%dma_start3A_123 : memref<400x128xf32, #tpu.memory_space<hbm>>) target_semaphore(%arg16 : memref<!tpu.dma_semaphore, #tpu.memory_space<semaphore_mem>>)
      %add3A_124 = arith.constant 2 : i32
      %add3A_125 = arith.addi %add3A_101, %add3A_124 : i32
      %lt3A_126 = arith.cmpi slt, %add3A_125, %select_n3A_5 : i32
      %convert_element_type3A_127 = arith.extui %lt3A_126 : i1 to i32
      %cond3A_128 = arith.constant 0 : i32
      %cond3A_129 = arith.cmpi ne, %convert_element_type3A_127, %cond3A_128 : i32
      scf.if %cond3A_129 {
        %dma_wait3A_130 = arith.constant 0 : i32
        %dma_wait3A_131 = tpu.memref_slice %arg6[%multiple_of3A_119, %dma_wait3A_130] : memref<332800x128xf32, #tpu.memory_space<hbm>> -> memref<400x128xf32, #tpu.memory_space<hbm>>
        %dma_wait3A_132 = arith.constant 0 : i32
        %dma_wait3A_133 = tpu.memref_slice %arg6[%multiple_of3A_119, %dma_wait3A_132] : memref<332800x128xf32, #tpu.memory_space<hbm>> -> memref<400x128xf32, #tpu.memory_space<hbm>>
        tpu.wait_dma2 semaphore(%arg16 : memref<!tpu.dma_semaphore, #tpu.memory_space<semaphore_mem>>) src(%arg10 : memref<400x128xf32, #tpu.memory_space<vmem>>) dst(%dma_wait3A_133 : memref<400x128xf32, #tpu.memory_space<hbm>>)
        %add3A_134 = arith.constant 2 : i32
        %add3A_135 = arith.addi %add3A_101, %add3A_134 : i32
        %mul3A_136 = arith.constant 400 : i32
        %mul3A_137 = arith.muli %add3A_135, %mul3A_136 : i32
        %dma_start3A_138 = tpu.memref_slice %arg7[%mul3A_137] : memref<13600xi32, #tpu.memory_space<vmem>> -> memref<400xi32, #tpu.memory_space<vmem>>
        %dma_start3A_139 = arith.constant 0 : i32
        %dma_start3A_140 = arith.constant 0 : i32
        %dma_start3A_141 = tpu.memref_slice %arg2[%dma_start3A_139, %dma_start3A_140] : memref<10240x128xf32, #tpu.memory_space<hbm>> -> memref<10240x128xf32, #tpu.memory_space<hbm>>
        tpu.enqueue_indirect_dma source(%dma_start3A_141 : memref<10240x128xf32, #tpu.memory_space<hbm>>) target(%arg10 : memref<400x128xf32, #tpu.memory_space<vmem>>) offsets(%dma_start3A_138 : memref<400xi32, #tpu.memory_space<vmem>>) semaphore(%arg12 : memref<!tpu.dma_semaphore, #tpu.memory_space<semaphore_mem>>)
      } else {
      }
    }
    %while3A_42 = arith.constant 1 : i32
    scf.for %while3A_66 = %while3A_40 to %while3A_36 step %while3A_42  : i32 {
      %mul3A_67 = arith.constant 2 : i32
      %mul3A_68 = arith.muli %while3A_66, %mul3A_67 : i32
      %add3A_69 = arith.constant 0 : i32
      %add3A_70 = arith.addi %mul3A_68, %add3A_69 : i32
      %mul3A_71 = arith.constant 400 : i32
      %mul3A_72 = arith.muli %add3A_70, %mul3A_71 : i32
      %dma_wait3A_73 = tpu.memref_slice %arg7[%mul3A_72] : memref<13600xi32, #tpu.memory_space<vmem>> -> memref<400xi32, #tpu.memory_space<vmem>>
      %dma_wait3A_74 = arith.constant 0 : i32
      %dma_wait3A_75 = arith.constant 0 : i32
      %dma_wait3A_76 = tpu.memref_slice %arg2[%dma_wait3A_74, %dma_wait3A_75] : memref<10240x128xf32, #tpu.memory_space<hbm>> -> memref<10240x128xf32, #tpu.memory_space<hbm>>
      tpu.wait_indirect_dma semaphore(%arg11 : memref<!tpu.dma_semaphore, #tpu.memory_space<semaphore_mem>>) src(%dma_wait3A_76 : memref<10240x128xf32, #tpu.memory_space<hbm>>) dst(%arg9 : memref<400x128xf32, #tpu.memory_space<vmem>>)
      %dma_start3A_77 = tpu.memref_slice %arg8[%mul3A_72] : memref<13600xi32, #tpu.memory_space<vmem>> -> memref<400xi32, #tpu.memory_space<vmem>>
      %dma_start3A_78 = arith.constant 0 : i32
      %dma_start3A_79 = arith.constant 0 : i32
      %dma_start3A_80 = tpu.memref_slice %arg3[%dma_start3A_78, %dma_start3A_79] : memref<10240x128xf32, #tpu.memory_space<hbm>> -> memref<10240x128xf32, #tpu.memory_space<hbm>>
      tpu.enqueue_indirect_dma source(%dma_start3A_80 : memref<10240x128xf32, #tpu.memory_space<hbm>>) target(%arg9 : memref<400x128xf32, #tpu.memory_space<vmem>>) offsets(%dma_start3A_77 : memref<400xi32, #tpu.memory_space<vmem>>) semaphore(%arg13 : memref<!tpu.dma_semaphore, #tpu.memory_space<semaphore_mem>>) {add = true}
      %dma_wait3A_81 = tpu.memref_slice %arg8[%mul3A_72] : memref<13600xi32, #tpu.memory_space<vmem>> -> memref<400xi32, #tpu.memory_space<vmem>>
      %dma_wait3A_82 = arith.constant 0 : i32
      %dma_wait3A_83 = arith.constant 0 : i32
      %dma_wait3A_84 = tpu.memref_slice %arg3[%dma_wait3A_82, %dma_wait3A_83] : memref<10240x128xf32, #tpu.memory_space<hbm>> -> memref<10240x128xf32, #tpu.memory_space<hbm>>
      tpu.wait_indirect_dma semaphore(%arg13 : memref<!tpu.dma_semaphore, #tpu.memory_space<semaphore_mem>>) src(%dma_wait3A_84 : memref<10240x128xf32, #tpu.memory_space<hbm>>) dst(%arg9 : memref<400x128xf32, #tpu.memory_space<vmem>>)
      %mul3A_85 = arith.constant 400 : i32
      %mul3A_86 = arith.muli %add3A_70, %mul3A_85 : i32
      %add3A_87 = arith.addi %multiple_of3A, %mul3A_86 : i32
      %multiple_of3A_88 = tpu.assume_multiple %add3A_87, 8 : i32
      %dma_start3A_89 = arith.constant 0 : i32
      %dma_start3A_90 = tpu.memref_slice %arg6[%multiple_of3A_88, %dma_start3A_89] : memref<332800x128xf32, #tpu.memory_space<hbm>> -> memref<400x128xf32, #tpu.memory_space<hbm>>
      %dma_start3A_91 = arith.constant 0 : i32
      %dma_start3A_92 = tpu.memref_slice %arg6[%multiple_of3A_88, %dma_start3A_91] : memref<332800x128xf32, #tpu.memory_space<hbm>> -> memref<400x128xf32, #tpu.memory_space<hbm>>
      tpu.enqueue_dma source(%arg9 : memref<400x128xf32, #tpu.memory_space<vmem>>) target(%dma_start3A_92 : memref<400x128xf32, #tpu.memory_space<hbm>>) target_semaphore(%arg15 : memref<!tpu.dma_semaphore, #tpu.memory_space<semaphore_mem>>)
      %add3A_93 = arith.constant 2 : i32
      %add3A_94 = arith.addi %add3A_70, %add3A_93 : i32
      %lt3A = arith.cmpi slt, %add3A_94, %select_n3A_5 : i32
      %convert_element_type3A_95 = arith.extui %lt3A : i1 to i32
      %cond3A_96 = arith.constant 0 : i32
      %cond3A_97 = arith.cmpi ne, %convert_element_type3A_95, %cond3A_96 : i32
      scf.if %cond3A_97 {
        %dma_wait3A_130 = arith.constant 0 : i32
        %dma_wait3A_131 = tpu.memref_slice %arg6[%multiple_of3A_88, %dma_wait3A_130] : memref<332800x128xf32, #tpu.memory_space<hbm>> -> memref<400x128xf32, #tpu.memory_space<hbm>>
        %dma_wait3A_132 = arith.constant 0 : i32
        %dma_wait3A_133 = tpu.memref_slice %arg6[%multiple_of3A_88, %dma_wait3A_132] : memref<332800x128xf32, #tpu.memory_space<hbm>> -> memref<400x128xf32, #tpu.memory_space<hbm>>
        tpu.wait_dma2 semaphore(%arg15 : memref<!tpu.dma_semaphore, #tpu.memory_space<semaphore_mem>>) src(%arg9 : memref<400x128xf32, #tpu.memory_space<vmem>>) dst(%dma_wait3A_133 : memref<400x128xf32, #tpu.memory_space<hbm>>)
        %add3A_134 = arith.constant 2 : i32
        %add3A_135 = arith.addi %add3A_70, %add3A_134 : i32
        %mul3A_136 = arith.constant 400 : i32
        %mul3A_137 = arith.muli %add3A_135, %mul3A_136 : i32
        %dma_start3A_138 = tpu.memref_slice %arg7[%mul3A_137] : memref<13600xi32, #tpu.memory_space<vmem>> -> memref<400xi32, #tpu.memory_space<vmem>>
        %dma_start3A_139 = arith.constant 0 : i32
        %dma_start3A_140 = arith.constant 0 : i32
        %dma_start3A_141 = tpu.memref_slice %arg2[%dma_start3A_139, %dma_start3A_140] : memref<10240x128xf32, #tpu.memory_space<hbm>> -> memref<10240x128xf32, #tpu.memory_space<hbm>>
        tpu.enqueue_indirect_dma source(%dma_start3A_141 : memref<10240x128xf32, #tpu.memory_space<hbm>>) target(%arg9 : memref<400x128xf32, #tpu.memory_space<vmem>>) offsets(%dma_start3A_138 : memref<400xi32, #tpu.memory_space<vmem>>) semaphore(%arg11 : memref<!tpu.dma_semaphore, #tpu.memory_space<semaphore_mem>>)
      } else {
      }
      %mul3A_98 = arith.constant 2 : i32
      %mul3A_99 = arith.muli %while3A_66, %mul3A_98 : i32
      %add3A_100 = arith.constant 1 : i32
      %add3A_101 = arith.addi %mul3A_99, %add3A_100 : i32
      %mul3A_102 = arith.constant 400 : i32
      %mul3A_103 = arith.muli %add3A_101, %mul3A_102 : i32
      %dma_wait3A_104 = tpu.memref_slice %arg7[%mul3A_103] : memref<13600xi32, #tpu.memory_space<vmem>> -> memref<400xi32, #tpu.memory_space<vmem>>
      %dma_wait3A_105 = arith.constant 0 : i32
      %dma_wait3A_106 = arith.constant 0 : i32
      %dma_wait3A_107 = tpu.memref_slice %arg2[%dma_wait3A_105, %dma_wait3A_106] : memref<10240x128xf32, #tpu.memory_space<hbm>> -> memref<10240x128xf32, #tpu.memory_space<hbm>>
      tpu.wait_indirect_dma semaphore(%arg12 : memref<!tpu.dma_semaphore, #tpu.memory_space<semaphore_mem>>) src(%dma_wait3A_107 : memref<10240x128xf32, #tpu.memory_space<hbm>>) dst(%arg10 : memref<400x128xf32, #tpu.memory_space<vmem>>)
      %dma_start3A_108 = tpu.memref_slice %arg8[%mul3A_103] : memref<13600xi32, #tpu.memory_space<vmem>> -> memref<400xi32, #tpu.memory_space<vmem>>
      %dma_start3A_109 = arith.constant 0 : i32
      %dma_start3A_110 = arith.constant 0 : i32
      %dma_start3A_111 = tpu.memref_slice %arg3[%dma_start3A_109, %dma_start3A_110] : memref<10240x128xf32, #tpu.memory_space<hbm>> -> memref<10240x128xf32, #tpu.memory_space<hbm>>
      tpu.enqueue_indirect_dma source(%dma_start3A_111 : memref<10240x128xf32, #tpu.memory_space<hbm>>) target(%arg10 : memref<400x128xf32, #tpu.memory_space<vmem>>) offsets(%dma_start3A_108 : memref<400xi32, #tpu.memory_space<vmem>>) semaphore(%arg14 : memref<!tpu.dma_semaphore, #tpu.memory_space<semaphore_mem>>) {add = true}
      %dma_wait3A_112 = tpu.memref_slice %arg8[%mul3A_103] : memref<13600xi32, #tpu.memory_space<vmem>> -> memref<400xi32, #tpu.memory_space<vmem>>
      %dma_wait3A_113 = arith.constant 0 : i32
      %dma_wait3A_114 = arith.constant 0 : i32
      %dma_wait3A_115 = tpu.memref_slice %arg3[%dma_wait3A_113, %dma_wait3A_114] : memref<10240x128xf32, #tpu.memory_space<hbm>> -> memref<10240x128xf32, #tpu.memory_space<hbm>>
      tpu.wait_indirect_dma semaphore(%arg14 : memref<!tpu.dma_semaphore, #tpu.memory_space<semaphore_mem>>) src(%dma_wait3A_115 : memref<10240x128xf32, #tpu.memory_space<hbm>>) dst(%arg10 : memref<400x128xf32, #tpu.memory_space<vmem>>)
      %mul3A_116 = arith.constant 400 : i32
      %mul3A_117 = arith.muli %add3A_101, %mul3A_116 : i32
      %add3A_118 = arith.addi %multiple_of3A, %mul3A_117 : i32
      %multiple_of3A_119 = tpu.assume_multiple %add3A_118, 8 : i32
      %dma_start3A_120 = arith.constant 0 : i32
      %dma_start3A_121 = tpu.memref_slice %arg6[%multiple_of3A_119, %dma_start3A_120] : memref<332800x128xf32, #tpu.memory_space<hbm>> -> memref<400x128xf32, #tpu.memory_space<hbm>>
      %dma_start3A_122 = arith.constant 0 : i32
      %dma_start3A_123 = tpu.memref_slice %arg6[%multiple_of3A_119, %dma_start3A_122] : memref<332800x128xf32, #tpu.memory_space<hbm>> -> memref<400x128xf32, #tpu.memory_space<hbm>>
      tpu.enqueue_dma source(%arg10 : memref<400x128xf32, #tpu.memory_space<vmem>>) target(%dma_start3A_123 : memref<400x128xf32, #tpu.memory_space<hbm>>) target_semaphore(%arg16 : memref<!tpu.dma_semaphore, #tpu.memory_space<semaphore_mem>>)
      %add3A_124 = arith.constant 2 : i32
      %add3A_125 = arith.addi %add3A_101, %add3A_124 : i32
      %lt3A_126 = arith.cmpi slt, %add3A_125, %select_n3A_5 : i32
      %convert_element_type3A_127 = arith.extui %lt3A_126 : i1 to i32
      %cond3A_128 = arith.constant 0 : i32
      %cond3A_129 = arith.cmpi ne, %convert_element_type3A_127, %cond3A_128 : i32
      scf.if %cond3A_129 {
        %dma_wait3A_130 = arith.constant 0 : i32
        %dma_wait3A_131 = tpu.memref_slice %arg6[%multiple_of3A_119, %dma_wait3A_130] : memref<332800x128xf32, #tpu.memory_space<hbm>> -> memref<400x128xf32, #tpu.memory_space<hbm>>
        %dma_wait3A_132 = arith.constant 0 : i32
        %dma_wait3A_133 = tpu.memref_slice %arg6[%multiple_of3A_119, %dma_wait3A_132] : memref<332800x128xf32, #tpu.memory_space<hbm>> -> memref<400x128xf32, #tpu.memory_space<hbm>>
        tpu.wait_dma2 semaphore(%arg16 : memref<!tpu.dma_semaphore, #tpu.memory_space<semaphore_mem>>) src(%arg10 : memref<400x128xf32, #tpu.memory_space<vmem>>) dst(%dma_wait3A_133 : memref<400x128xf32, #tpu.memory_space<hbm>>)
        %add3A_134 = arith.constant 2 : i32
        %add3A_135 = arith.addi %add3A_101, %add3A_134 : i32
        %mul3A_136 = arith.constant 400 : i32
        %mul3A_137 = arith.muli %add3A_135, %mul3A_136 : i32
        %dma_start3A_138 = tpu.memref_slice %arg7[%mul3A_137] : memref<13600xi32, #tpu.memory_space<vmem>> -> memref<400xi32, #tpu.memory_space<vmem>>
        %dma_start3A_139 = arith.constant 0 : i32
        %dma_start3A_140 = arith.constant 0 : i32
        %dma_start3A_141 = tpu.memref_slice %arg2[%dma_start3A_139, %dma_start3A_140] : memref<10240x128xf32, #tpu.memory_space<hbm>> -> memref<10240x128xf32, #tpu.memory_space<hbm>>
        tpu.enqueue_indirect_dma source(%dma_start3A_141 : memref<10240x128xf32, #tpu.memory_space<hbm>>) target(%arg10 : memref<400x128xf32, #tpu.memory_space<vmem>>) offsets(%dma_start3A_138 : memref<400xi32, #tpu.memory_space<vmem>>) semaphore(%arg12 : memref<!tpu.dma_semaphore, #tpu.memory_space<semaphore_mem>>)
      } else {
      }
    }
    %sub3A_43 = arith.constant 2 : i32
    %sub3A_44 = arith.subi %select_n3A_5, %sub3A_43 : i32
    %add3A_45 = arith.constant 0 : i32
    %add3A_46 = arith.addi %sub3A_44, %add3A_45 : i32
    %mul3A_47 = arith.constant 400 : i32
    %mul3A_48 = arith.muli %add3A_46, %mul3A_47 : i32
    %add3A_49 = arith.addi %multiple_of3A, %mul3A_48 : i32
    %multiple_of3A_50 = tpu.assume_multiple %add3A_49, 8 : i32
    %dma_wait3A = arith.constant 0 : i32
    %dma_wait3A_51 = tpu.memref_slice %arg6[%multiple_of3A_50, %dma_wait3A] : memref<332800x128xf32, #tpu.memory_space<hbm>> -> memref<400x128xf32, #tpu.memory_space<hbm>>
    %dma_wait3A_52 = arith.constant 0 : i32
    %dma_wait3A_53 = tpu.memref_slice %arg6[%multiple_of3A_50, %dma_wait3A_52] : memref<332800x128xf32, #tpu.memory_space<hbm>> -> memref<400x128xf32, #tpu.memory_space<hbm>>
    tpu.wait_dma2 semaphore(%arg15 : memref<!tpu.dma_semaphore, #tpu.memory_space<semaphore_mem>>) src(%arg9 : memref<400x128xf32, #tpu.memory_space<vmem>>) dst(%dma_wait3A_53 : memref<400x128xf32, #tpu.memory_space<hbm>>)
    %sub3A_54 = arith.constant 2 : i32
    %sub3A_55 = arith.subi %select_n3A_5, %sub3A_54 : i32
    %add3A_56 = arith.constant 1 : i32
    %add3A_57 = arith.addi %sub3A_55, %add3A_56 : i32
    %mul3A_58 = arith.constant 400 : i32
    %mul3A_59 = arith.muli %add3A_57, %mul3A_58 : i32
    %add3A_60 = arith.addi %multiple_of3A, %mul3A_59 : i32
    %multiple_of3A_61 = tpu.assume_multiple %add3A_60, 8 : i32
    %dma_wait3A_62 = arith.constant 0 : i32
    %dma_wait3A_63 = tpu.memref_slice %arg6[%multiple_of3A_61, %dma_wait3A_62] : memref<332800x128xf32, #tpu.memory_space<hbm>> -> memref<400x128xf32, #tpu.memory_space<hbm>>
    %dma_wait3A_64 = arith.constant 0 : i32
    %dma_wait3A_65 = tpu.memref_slice %arg6[%multiple_of3A_61, %dma_wait3A_64] : memref<332800x128xf32, #tpu.memory_space<hbm>> -> memref<400x128xf32, #tpu.memory_space<hbm>>
    tpu.wait_dma2 semaphore(%arg16 : memref<!tpu.dma_semaphore, #tpu.memory_space<semaphore_mem>>) src(%arg10 : memref<400x128xf32, #tpu.memory_space<vmem>>) dst(%dma_wait3A_65 : memref<400x128xf32, #tpu.memory_space<hbm>>)
    return
  }
}

#map = affine_map<(d0, d1) -> (0, 0)>
#map1 = affine_map<(d0, d1) -> (0)>
#map2 = affine_map<(d0, d1) -> (0, 0, 0)>
module attributes {stable_mosaic.version = 14 : i64} {
  func.func @_sc_nsum(%arg0: i32, %arg1: i32, %arg2: memref<10240x128xf32, #tpu.memory_space<hbm>>, %arg3: memref<332800xi32, #tpu.memory_space<hbm>>, %arg4: memref<332800xi32, #tpu.memory_space<hbm>>, %arg5: memref<640x128xf32, #tpu.memory_space<hbm>>, %arg6: memref<2x10240x128xf32, #tpu.memory_space<hbm>>, %arg7: memref<10240x128xf32, #tpu.memory_space<vmem_shared>>, %arg8: memref<104xi32, #tpu.memory_space<vmem>>, %arg9: memref<104xi32, #tpu.memory_space<vmem>>, %arg10: memref<104xi32, #tpu.memory_space<vmem>>, %arg11: memref<104xi32, #tpu.memory_space<vmem>>, %arg12: memref<104x128xf32, #tpu.memory_space<vmem>>, %arg13: memref<104x128xf32, #tpu.memory_space<vmem>>, %arg14: memref<!tpu.dma_semaphore, #tpu.memory_space<semaphore_mem>>, %arg15: memref<!tpu.dma_semaphore, #tpu.memory_space<semaphore_mem>>, %arg16: memref<!tpu.dma_semaphore, #tpu.memory_space<semaphore_mem>>, %arg17: memref<!tpu.dma_semaphore, #tpu.memory_space<semaphore_mem>>) attributes {dimension_semantics = [#tpu.dimension_semantics<core_parallel>, #tpu.dimension_semantics<subcore_parallel>], iteration_bounds = array<i64: 2, 16>, scalar_prefetch = 0 : i64, scratch_operands = 11 : i64, tpu.core_type = #tpu.core_type<sc_vector_subcore>, window_params = [{transform_indices = #map}, {transform_indices = #map1}, {transform_indices = #map1}, {transform_indices = #map}, {transform_indices = #map2}]} {
    %mul3A = arith.constant 640 : i32
    %mul3A_0 = arith.muli %arg1, %mul3A : i32
    "tpu.region"() ({
      %run_scoped3A = tpu.sem_alloc : memref<!tpu.dma_semaphore, #tpu.memory_space<semaphore_mem>>
      %dma_start3A_48 = arith.constant 0 : i32
      %dma_start3A_49 = tpu.memref_slice %arg7[%mul3A_0, %dma_start3A_48] : memref<10240x128xf32, #tpu.memory_space<vmem_shared>> -> memref<640x128xf32, #tpu.memory_space<vmem_shared>>
      tpu.enqueue_dma source(%arg5 : memref<640x128xf32, #tpu.memory_space<hbm>>) target(%dma_start3A_49 : memref<640x128xf32, #tpu.memory_space<vmem_shared>>) target_semaphore(%run_scoped3A : memref<!tpu.dma_semaphore, #tpu.memory_space<semaphore_mem>>)
      %dma_wait3A = arith.constant 0 : i32
      %dma_wait3A_50 = tpu.memref_slice %arg7[%mul3A_0, %dma_wait3A] : memref<10240x128xf32, #tpu.memory_space<vmem_shared>> -> memref<640x128xf32, #tpu.memory_space<vmem_shared>>
      tpu.wait_dma2 semaphore(%run_scoped3A : memref<!tpu.dma_semaphore, #tpu.memory_space<semaphore_mem>>) src(%arg5 : memref<640x128xf32, #tpu.memory_space<hbm>>) dst(%dma_wait3A_50 : memref<640x128xf32, #tpu.memory_space<vmem_shared>>)
      tpu.yield
    }) : () -> ()
    %barrier3A = arith.constant 0 : index
    tpu.barrier barrier_id(%barrier3A)
    %eq3A = arith.constant 0 : i32
    %eq3A_1 = arith.cmpi eq, %arg0, %eq3A : i32
    %mul3A_2 = arith.constant 20800 : i32
    %mul3A_3 = arith.muli %arg1, %mul3A_2 : i32
    %jit3A = arith.constant 0 : i32
    %jit3A_4 = arith.constant 13520 : i32
    %select_n3A = arith.select %eq3A_1, %jit3A, %jit3A_4 : i32
    %add3A = arith.addi %mul3A_3, %select_n3A : i32
    %jit3A_5 = arith.constant 130 : i32
    %jit3A_6 = arith.constant 70 : i32
    %select_n3A_7 = arith.select %eq3A_1, %jit3A_5, %jit3A_6 : i32
    %add3A_8 = arith.constant 0 : i32
    %add3A_9 = arith.addi %add3A, %add3A_8 : i32
    %multiple_of3A = tpu.assume_multiple %add3A_9, 8 : i32
    "tpu.region"() ({
      %run_scoped3A = tpu.sem_alloc : memref<!tpu.dma_semaphore, #tpu.memory_space<semaphore_mem>>
      %dma_start3A_48 = tpu.memref_slice %arg3[%multiple_of3A] : memref<332800xi32, #tpu.memory_space<hbm>> -> memref<104xi32, #tpu.memory_space<hbm>>
      %dma_start3A_49 = tpu.memref_slice %arg3[%multiple_of3A] : memref<332800xi32, #tpu.memory_space<hbm>> -> memref<104xi32, #tpu.memory_space<hbm>>
      tpu.enqueue_dma source(%dma_start3A_49 : memref<104xi32, #tpu.memory_space<hbm>>) target(%arg8 : memref<104xi32, #tpu.memory_space<vmem>>) target_semaphore(%run_scoped3A : memref<!tpu.dma_semaphore, #tpu.memory_space<semaphore_mem>>)
      %dma_wait3A = tpu.memref_slice %arg3[%multiple_of3A] : memref<332800xi32, #tpu.memory_space<hbm>> -> memref<104xi32, #tpu.memory_space<hbm>>
      %dma_wait3A_50 = tpu.memref_slice %arg3[%multiple_of3A] : memref<332800xi32, #tpu.memory_space<hbm>> -> memref<104xi32, #tpu.memory_space<hbm>>
      tpu.wait_dma2 semaphore(%run_scoped3A : memref<!tpu.dma_semaphore, #tpu.memory_space<semaphore_mem>>) src(%dma_wait3A_50 : memref<104xi32, #tpu.memory_space<hbm>>) dst(%arg8 : memref<104xi32, #tpu.memory_space<vmem>>)
      tpu.yield
    }) : () -> ()
    "tpu.region"() ({
      %run_scoped3A = tpu.sem_alloc : memref<!tpu.dma_semaphore, #tpu.memory_space<semaphore_mem>>
      %dma_start3A_48 = tpu.memref_slice %arg4[%multiple_of3A] : memref<332800xi32, #tpu.memory_space<hbm>> -> memref<104xi32, #tpu.memory_space<hbm>>
      %dma_start3A_49 = tpu.memref_slice %arg4[%multiple_of3A] : memref<332800xi32, #tpu.memory_space<hbm>> -> memref<104xi32, #tpu.memory_space<hbm>>
      tpu.enqueue_dma source(%dma_start3A_49 : memref<104xi32, #tpu.memory_space<hbm>>) target(%arg10 : memref<104xi32, #tpu.memory_space<vmem>>) target_semaphore(%run_scoped3A : memref<!tpu.dma_semaphore, #tpu.memory_space<semaphore_mem>>)
      %dma_wait3A = tpu.memref_slice %arg4[%multiple_of3A] : memref<332800xi32, #tpu.memory_space<hbm>> -> memref<104xi32, #tpu.memory_space<hbm>>
      %dma_wait3A_50 = tpu.memref_slice %arg4[%multiple_of3A] : memref<332800xi32, #tpu.memory_space<hbm>> -> memref<104xi32, #tpu.memory_space<hbm>>
      tpu.wait_dma2 semaphore(%run_scoped3A : memref<!tpu.dma_semaphore, #tpu.memory_space<semaphore_mem>>) src(%dma_wait3A_50 : memref<104xi32, #tpu.memory_space<hbm>>) dst(%arg10 : memref<104xi32, #tpu.memory_space<vmem>>)
      tpu.yield
    }) : () -> ()
    %dma_start3A = arith.constant 0 : i32
    %dma_start3A_10 = arith.constant 0 : i32
    %dma_start3A_11 = tpu.memref_slice %arg2[%dma_start3A, %dma_start3A_10] : memref<10240x128xf32, #tpu.memory_space<hbm>> -> memref<10240x128xf32, #tpu.memory_space<hbm>>
    tpu.enqueue_indirect_dma source(%dma_start3A_11 : memref<10240x128xf32, #tpu.memory_space<hbm>>) target(%arg12 : memref<104x128xf32, #tpu.memory_space<vmem>>) offsets(%arg8 : memref<104xi32, #tpu.memory_space<vmem>>) semaphore(%arg14 : memref<!tpu.dma_semaphore, #tpu.memory_space<semaphore_mem>>)
    %add3A_12 = arith.constant 104 : i32
    %add3A_13 = arith.addi %add3A, %add3A_12 : i32
    %multiple_of3A_14 = tpu.assume_multiple %add3A_13, 8 : i32
    "tpu.region"() ({
      %run_scoped3A = tpu.sem_alloc : memref<!tpu.dma_semaphore, #tpu.memory_space<semaphore_mem>>
      %dma_start3A_48 = tpu.memref_slice %arg3[%multiple_of3A_14] : memref<332800xi32, #tpu.memory_space<hbm>> -> memref<104xi32, #tpu.memory_space<hbm>>
      %dma_start3A_49 = tpu.memref_slice %arg3[%multiple_of3A_14] : memref<332800xi32, #tpu.memory_space<hbm>> -> memref<104xi32, #tpu.memory_space<hbm>>
      tpu.enqueue_dma source(%dma_start3A_49 : memref<104xi32, #tpu.memory_space<hbm>>) target(%arg9 : memref<104xi32, #tpu.memory_space<vmem>>) target_semaphore(%run_scoped3A : memref<!tpu.dma_semaphore, #tpu.memory_space<semaphore_mem>>)
      %dma_wait3A = tpu.memref_slice %arg3[%multiple_of3A_14] : memref<332800xi32, #tpu.memory_space<hbm>> -> memref<104xi32, #tpu.memory_space<hbm>>
      %dma_wait3A_50 = tpu.memref_slice %arg3[%multiple_of3A_14] : memref<332800xi32, #tpu.memory_space<hbm>> -> memref<104xi32, #tpu.memory_space<hbm>>
      tpu.wait_dma2 semaphore(%run_scoped3A : memref<!tpu.dma_semaphore, #tpu.memory_space<semaphore_mem>>) src(%dma_wait3A_50 : memref<104xi32, #tpu.memory_space<hbm>>) dst(%arg9 : memref<104xi32, #tpu.memory_space<vmem>>)
      tpu.yield
    }) : () -> ()
    "tpu.region"() ({
      %run_scoped3A = tpu.sem_alloc : memref<!tpu.dma_semaphore, #tpu.memory_space<semaphore_mem>>
      %dma_start3A_48 = tpu.memref_slice %arg4[%multiple_of3A_14] : memref<332800xi32, #tpu.memory_space<hbm>> -> memref<104xi32, #tpu.memory_space<hbm>>
      %dma_start3A_49 = tpu.memref_slice %arg4[%multiple_of3A_14] : memref<332800xi32, #tpu.memory_space<hbm>> -> memref<104xi32, #tpu.memory_space<hbm>>
      tpu.enqueue_dma source(%dma_start3A_49 : memref<104xi32, #tpu.memory_space<hbm>>) target(%arg11 : memref<104xi32, #tpu.memory_space<vmem>>) target_semaphore(%run_scoped3A : memref<!tpu.dma_semaphore, #tpu.memory_space<semaphore_mem>>)
      %dma_wait3A = tpu.memref_slice %arg4[%multiple_of3A_14] : memref<332800xi32, #tpu.memory_space<hbm>> -> memref<104xi32, #tpu.memory_space<hbm>>
      %dma_wait3A_50 = tpu.memref_slice %arg4[%multiple_of3A_14] : memref<332800xi32, #tpu.memory_space<hbm>> -> memref<104xi32, #tpu.memory_space<hbm>>
      tpu.wait_dma2 semaphore(%run_scoped3A : memref<!tpu.dma_semaphore, #tpu.memory_space<semaphore_mem>>) src(%dma_wait3A_50 : memref<104xi32, #tpu.memory_space<hbm>>) dst(%arg11 : memref<104xi32, #tpu.memory_space<vmem>>)
      tpu.yield
    }) : () -> ()
    %dma_start3A_15 = arith.constant 0 : i32
    %dma_start3A_16 = arith.constant 0 : i32
    %dma_start3A_17 = tpu.memref_slice %arg2[%dma_start3A_15, %dma_start3A_16] : memref<10240x128xf32, #tpu.memory_space<hbm>> -> memref<10240x128xf32, #tpu.memory_space<hbm>>
    tpu.enqueue_indirect_dma source(%dma_start3A_17 : memref<10240x128xf32, #tpu.memory_space<hbm>>) target(%arg13 : memref<104x128xf32, #tpu.memory_space<vmem>>) offsets(%arg9 : memref<104xi32, #tpu.memory_space<vmem>>) semaphore(%arg15 : memref<!tpu.dma_semaphore, #tpu.memory_space<semaphore_mem>>)
    %jit3A_18 = arith.constant 2 : i32
    %div3A = arith.divsi %select_n3A_7, %jit3A_18 : i32
    %sign3A = arith.constant 0 : i32
    %sign3A_19 = arith.cmpi sgt, %select_n3A_7, %sign3A : i32
    %sign3A_20 = arith.extui %sign3A_19 : i1 to i32
    %sign3A_21 = arith.constant 0 : i32
    %sign3A_22 = arith.cmpi slt, %select_n3A_7, %sign3A_21 : i32
    %sign3A_23 = arith.extui %sign3A_22 : i1 to i32
    %sign3A_24 = arith.subi %sign3A_20, %sign3A_23 : i32
    %sign3A_25 = arith.constant 0 : i32
    %sign3A_26 = arith.cmpi sgt, %jit3A_18, %sign3A_25 : i32
    %sign3A_27 = arith.extui %sign3A_26 : i1 to i32
    %sign3A_28 = arith.constant 0 : i32
    %sign3A_29 = arith.cmpi slt, %jit3A_18, %sign3A_28 : i32
    %sign3A_30 = arith.extui %sign3A_29 : i1 to i32
    %sign3A_31 = arith.subi %sign3A_27, %sign3A_30 : i32
    %ne3A = arith.cmpi ne, %sign3A_24, %sign3A_31 : i32
    %rem3A = arith.remsi %select_n3A_7, %jit3A_18 : i32
    %ne3A_32 = arith.constant 0 : i32
    %ne3A_33 = arith.cmpi ne, %rem3A, %ne3A_32 : i32
    %and3A = arith.andi %ne3A, %ne3A_33 : i1
    %sub3A = arith.constant 1 : i32
    %sub3A_34 = arith.subi %div3A, %sub3A : i32
    %select_n3A_35 = arith.select %and3A, %sub3A_34, %div3A : i32
    %while3A = arith.constant 0 : i32
    %while3A_36 = arith.constant 0 : i32
    %while3A_37 = arith.subi %select_n3A_35, %while3A_36 : i32
    %while3A_38 = arith.addi %while3A_36, %while3A_37 : i32
    %while3A_39 = arith.constant 1 : i32
    %while3A_40 = arith.divsi %while3A_37, %while3A_39 : i32
    %while3A_41 = arith.muli %while3A_40, %while3A_39 : i32
    %while3A_42 = arith.addi %while3A_36, %while3A_41 : i32
    %while3A_43 = arith.constant 1 : i32
    scf.for %while3A_48 = %while3A_36 to %while3A_42 step %while3A_43  : i32 {
      %mul3A_49 = arith.constant 2 : i32
      %mul3A_50 = arith.muli %while3A_48, %mul3A_49 : i32
      %add3A_51 = arith.constant 0 : i32
      %add3A_52 = arith.addi %mul3A_50, %add3A_51 : i32
      %dma_wait3A = arith.constant 0 : i32
      %dma_wait3A_53 = arith.constant 0 : i32
      %dma_wait3A_54 = tpu.memref_slice %arg2[%dma_wait3A, %dma_wait3A_53] : memref<10240x128xf32, #tpu.memory_space<hbm>> -> memref<10240x128xf32, #tpu.memory_space<hbm>>
      tpu.wait_indirect_dma semaphore(%arg14 : memref<!tpu.dma_semaphore, #tpu.memory_space<semaphore_mem>>) src(%dma_wait3A_54 : memref<10240x128xf32, #tpu.memory_space<hbm>>) dst(%arg12 : memref<104x128xf32, #tpu.memory_space<vmem>>)
      %dma_start3A_55 = arith.constant 0 : i32
      %dma_start3A_56 = arith.constant 0 : i32
      %dma_start3A_57 = tpu.memref_slice %arg7[%dma_start3A_55, %dma_start3A_56] : memref<10240x128xf32, #tpu.memory_space<vmem_shared>> -> memref<10240x128xf32, #tpu.memory_space<vmem_shared>>
      tpu.enqueue_indirect_dma source(%arg12 : memref<104x128xf32, #tpu.memory_space<vmem>>) target(%dma_start3A_57 : memref<10240x128xf32, #tpu.memory_space<vmem_shared>>) offsets(%arg10 : memref<104xi32, #tpu.memory_space<vmem>>) semaphore(%arg16 : memref<!tpu.dma_semaphore, #tpu.memory_space<semaphore_mem>>) {add = true}
      %dma_wait3A_58 = arith.constant 0 : i32
      %dma_wait3A_59 = arith.constant 0 : i32
      %dma_wait3A_60 = tpu.memref_slice %arg7[%dma_wait3A_58, %dma_wait3A_59] : memref<10240x128xf32, #tpu.memory_space<vmem_shared>> -> memref<10240x128xf32, #tpu.memory_space<vmem_shared>>
      tpu.wait_indirect_dma semaphore(%arg16 : memref<!tpu.dma_semaphore, #tpu.memory_space<semaphore_mem>>) src(%arg12 : memref<104x128xf32, #tpu.memory_space<vmem>>) dst(%dma_wait3A_60 : memref<10240x128xf32, #tpu.memory_space<vmem_shared>>)
      %add3A_61 = arith.constant 2 : i32
      %add3A_62 = arith.addi %add3A_52, %add3A_61 : i32
      %lt3A = arith.cmpi slt, %add3A_62, %select_n3A_7 : i32
      %convert_element_type3A = arith.extui %lt3A : i1 to i32
      %cond3A = arith.constant 0 : i32
      %cond3A_63 = arith.cmpi ne, %convert_element_type3A, %cond3A : i32
      scf.if %cond3A_63 {
        %add3A_83 = arith.constant 2 : i32
        %add3A_84 = arith.addi %add3A_52, %add3A_83 : i32
        %mul3A_85 = arith.constant 104 : i32
        %mul3A_86 = arith.muli %add3A_84, %mul3A_85 : i32
        %add3A_87 = arith.addi %add3A, %mul3A_86 : i32
        %multiple_of3A_88 = tpu.assume_multiple %add3A_87, 8 : i32
        "tpu.region"() ({
          %run_scoped3A = tpu.sem_alloc : memref<!tpu.dma_semaphore, #tpu.memory_space<semaphore_mem>>
          %dma_start3A_92 = tpu.memref_slice %arg3[%multiple_of3A_88] : memref<332800xi32, #tpu.memory_space<hbm>> -> memref<104xi32, #tpu.memory_space<hbm>>
          %dma_start3A_93 = tpu.memref_slice %arg3[%multiple_of3A_88] : memref<332800xi32, #tpu.memory_space<hbm>> -> memref<104xi32, #tpu.memory_space<hbm>>
          tpu.enqueue_dma source(%dma_start3A_93 : memref<104xi32, #tpu.memory_space<hbm>>) target(%arg8 : memref<104xi32, #tpu.memory_space<vmem>>) target_semaphore(%run_scoped3A : memref<!tpu.dma_semaphore, #tpu.memory_space<semaphore_mem>>)
          %dma_wait3A_94 = tpu.memref_slice %arg3[%multiple_of3A_88] : memref<332800xi32, #tpu.memory_space<hbm>> -> memref<104xi32, #tpu.memory_space<hbm>>
          %dma_wait3A_95 = tpu.memref_slice %arg3[%multiple_of3A_88] : memref<332800xi32, #tpu.memory_space<hbm>> -> memref<104xi32, #tpu.memory_space<hbm>>
          tpu.wait_dma2 semaphore(%run_scoped3A : memref<!tpu.dma_semaphore, #tpu.memory_space<semaphore_mem>>) src(%dma_wait3A_95 : memref<104xi32, #tpu.memory_space<hbm>>) dst(%arg8 : memref<104xi32, #tpu.memory_space<vmem>>)
          tpu.yield
        }) : () -> ()
        "tpu.region"() ({
          %run_scoped3A = tpu.sem_alloc : memref<!tpu.dma_semaphore, #tpu.memory_space<semaphore_mem>>
          %dma_start3A_92 = tpu.memref_slice %arg4[%multiple_of3A_88] : memref<332800xi32, #tpu.memory_space<hbm>> -> memref<104xi32, #tpu.memory_space<hbm>>
          %dma_start3A_93 = tpu.memref_slice %arg4[%multiple_of3A_88] : memref<332800xi32, #tpu.memory_space<hbm>> -> memref<104xi32, #tpu.memory_space<hbm>>
          tpu.enqueue_dma source(%dma_start3A_93 : memref<104xi32, #tpu.memory_space<hbm>>) target(%arg10 : memref<104xi32, #tpu.memory_space<vmem>>) target_semaphore(%run_scoped3A : memref<!tpu.dma_semaphore, #tpu.memory_space<semaphore_mem>>)
          %dma_wait3A_94 = tpu.memref_slice %arg4[%multiple_of3A_88] : memref<332800xi32, #tpu.memory_space<hbm>> -> memref<104xi32, #tpu.memory_space<hbm>>
          %dma_wait3A_95 = tpu.memref_slice %arg4[%multiple_of3A_88] : memref<332800xi32, #tpu.memory_space<hbm>> -> memref<104xi32, #tpu.memory_space<hbm>>
          tpu.wait_dma2 semaphore(%run_scoped3A : memref<!tpu.dma_semaphore, #tpu.memory_space<semaphore_mem>>) src(%dma_wait3A_95 : memref<104xi32, #tpu.memory_space<hbm>>) dst(%arg10 : memref<104xi32, #tpu.memory_space<vmem>>)
          tpu.yield
        }) : () -> ()
        %dma_start3A_89 = arith.constant 0 : i32
        %dma_start3A_90 = arith.constant 0 : i32
        %dma_start3A_91 = tpu.memref_slice %arg2[%dma_start3A_89, %dma_start3A_90] : memref<10240x128xf32, #tpu.memory_space<hbm>> -> memref<10240x128xf32, #tpu.memory_space<hbm>>
        tpu.enqueue_indirect_dma source(%dma_start3A_91 : memref<10240x128xf32, #tpu.memory_space<hbm>>) target(%arg12 : memref<104x128xf32, #tpu.memory_space<vmem>>) offsets(%arg8 : memref<104xi32, #tpu.memory_space<vmem>>) semaphore(%arg14 : memref<!tpu.dma_semaphore, #tpu.memory_space<semaphore_mem>>)
      } else {
      }
      %mul3A_64 = arith.constant 2 : i32
      %mul3A_65 = arith.muli %while3A_48, %mul3A_64 : i32
      %add3A_66 = arith.constant 1 : i32
      %add3A_67 = arith.addi %mul3A_65, %add3A_66 : i32
      %dma_wait3A_68 = arith.constant 0 : i32
      %dma_wait3A_69 = arith.constant 0 : i32
      %dma_wait3A_70 = tpu.memref_slice %arg2[%dma_wait3A_68, %dma_wait3A_69] : memref<10240x128xf32, #tpu.memory_space<hbm>> -> memref<10240x128xf32, #tpu.memory_space<hbm>>
      tpu.wait_indirect_dma semaphore(%arg15 : memref<!tpu.dma_semaphore, #tpu.memory_space<semaphore_mem>>) src(%dma_wait3A_70 : memref<10240x128xf32, #tpu.memory_space<hbm>>) dst(%arg13 : memref<104x128xf32, #tpu.memory_space<vmem>>)
      %dma_start3A_71 = arith.constant 0 : i32
      %dma_start3A_72 = arith.constant 0 : i32
      %dma_start3A_73 = tpu.memref_slice %arg7[%dma_start3A_71, %dma_start3A_72] : memref<10240x128xf32, #tpu.memory_space<vmem_shared>> -> memref<10240x128xf32, #tpu.memory_space<vmem_shared>>
      tpu.enqueue_indirect_dma source(%arg13 : memref<104x128xf32, #tpu.memory_space<vmem>>) target(%dma_start3A_73 : memref<10240x128xf32, #tpu.memory_space<vmem_shared>>) offsets(%arg11 : memref<104xi32, #tpu.memory_space<vmem>>) semaphore(%arg17 : memref<!tpu.dma_semaphore, #tpu.memory_space<semaphore_mem>>) {add = true}
      %dma_wait3A_74 = arith.constant 0 : i32
      %dma_wait3A_75 = arith.constant 0 : i32
      %dma_wait3A_76 = tpu.memref_slice %arg7[%dma_wait3A_74, %dma_wait3A_75] : memref<10240x128xf32, #tpu.memory_space<vmem_shared>> -> memref<10240x128xf32, #tpu.memory_space<vmem_shared>>
      tpu.wait_indirect_dma semaphore(%arg17 : memref<!tpu.dma_semaphore, #tpu.memory_space<semaphore_mem>>) src(%arg13 : memref<104x128xf32, #tpu.memory_space<vmem>>) dst(%dma_wait3A_76 : memref<10240x128xf32, #tpu.memory_space<vmem_shared>>)
      %add3A_77 = arith.constant 2 : i32
      %add3A_78 = arith.addi %add3A_67, %add3A_77 : i32
      %lt3A_79 = arith.cmpi slt, %add3A_78, %select_n3A_7 : i32
      %convert_element_type3A_80 = arith.extui %lt3A_79 : i1 to i32
      %cond3A_81 = arith.constant 0 : i32
      %cond3A_82 = arith.cmpi ne, %convert_element_type3A_80, %cond3A_81 : i32
      scf.if %cond3A_82 {
        %add3A_83 = arith.constant 2 : i32
        %add3A_84 = arith.addi %add3A_67, %add3A_83 : i32
        %mul3A_85 = arith.constant 104 : i32
        %mul3A_86 = arith.muli %add3A_84, %mul3A_85 : i32
        %add3A_87 = arith.addi %add3A, %mul3A_86 : i32
        %multiple_of3A_88 = tpu.assume_multiple %add3A_87, 8 : i32
        "tpu.region"() ({
          %run_scoped3A = tpu.sem_alloc : memref<!tpu.dma_semaphore, #tpu.memory_space<semaphore_mem>>
          %dma_start3A_92 = tpu.memref_slice %arg3[%multiple_of3A_88] : memref<332800xi32, #tpu.memory_space<hbm>> -> memref<104xi32, #tpu.memory_space<hbm>>
          %dma_start3A_93 = tpu.memref_slice %arg3[%multiple_of3A_88] : memref<332800xi32, #tpu.memory_space<hbm>> -> memref<104xi32, #tpu.memory_space<hbm>>
          tpu.enqueue_dma source(%dma_start3A_93 : memref<104xi32, #tpu.memory_space<hbm>>) target(%arg9 : memref<104xi32, #tpu.memory_space<vmem>>) target_semaphore(%run_scoped3A : memref<!tpu.dma_semaphore, #tpu.memory_space<semaphore_mem>>)
          %dma_wait3A_94 = tpu.memref_slice %arg3[%multiple_of3A_88] : memref<332800xi32, #tpu.memory_space<hbm>> -> memref<104xi32, #tpu.memory_space<hbm>>
          %dma_wait3A_95 = tpu.memref_slice %arg3[%multiple_of3A_88] : memref<332800xi32, #tpu.memory_space<hbm>> -> memref<104xi32, #tpu.memory_space<hbm>>
          tpu.wait_dma2 semaphore(%run_scoped3A : memref<!tpu.dma_semaphore, #tpu.memory_space<semaphore_mem>>) src(%dma_wait3A_95 : memref<104xi32, #tpu.memory_space<hbm>>) dst(%arg9 : memref<104xi32, #tpu.memory_space<vmem>>)
          tpu.yield
        }) : () -> ()
        "tpu.region"() ({
          %run_scoped3A = tpu.sem_alloc : memref<!tpu.dma_semaphore, #tpu.memory_space<semaphore_mem>>
          %dma_start3A_92 = tpu.memref_slice %arg4[%multiple_of3A_88] : memref<332800xi32, #tpu.memory_space<hbm>> -> memref<104xi32, #tpu.memory_space<hbm>>
          %dma_start3A_93 = tpu.memref_slice %arg4[%multiple_of3A_88] : memref<332800xi32, #tpu.memory_space<hbm>> -> memref<104xi32, #tpu.memory_space<hbm>>
          tpu.enqueue_dma source(%dma_start3A_93 : memref<104xi32, #tpu.memory_space<hbm>>) target(%arg11 : memref<104xi32, #tpu.memory_space<vmem>>) target_semaphore(%run_scoped3A : memref<!tpu.dma_semaphore, #tpu.memory_space<semaphore_mem>>)
          %dma_wait3A_94 = tpu.memref_slice %arg4[%multiple_of3A_88] : memref<332800xi32, #tpu.memory_space<hbm>> -> memref<104xi32, #tpu.memory_space<hbm>>
          %dma_wait3A_95 = tpu.memref_slice %arg4[%multiple_of3A_88] : memref<332800xi32, #tpu.memory_space<hbm>> -> memref<104xi32, #tpu.memory_space<hbm>>
          tpu.wait_dma2 semaphore(%run_scoped3A : memref<!tpu.dma_semaphore, #tpu.memory_space<semaphore_mem>>) src(%dma_wait3A_95 : memref<104xi32, #tpu.memory_space<hbm>>) dst(%arg11 : memref<104xi32, #tpu.memory_space<vmem>>)
          tpu.yield
        }) : () -> ()
        %dma_start3A_89 = arith.constant 0 : i32
        %dma_start3A_90 = arith.constant 0 : i32
        %dma_start3A_91 = tpu.memref_slice %arg2[%dma_start3A_89, %dma_start3A_90] : memref<10240x128xf32, #tpu.memory_space<hbm>> -> memref<10240x128xf32, #tpu.memory_space<hbm>>
        tpu.enqueue_indirect_dma source(%dma_start3A_91 : memref<10240x128xf32, #tpu.memory_space<hbm>>) target(%arg13 : memref<104x128xf32, #tpu.memory_space<vmem>>) offsets(%arg9 : memref<104xi32, #tpu.memory_space<vmem>>) semaphore(%arg15 : memref<!tpu.dma_semaphore, #tpu.memory_space<semaphore_mem>>)
      } else {
      }
    }
    %while3A_44 = arith.constant 1 : i32
    scf.for %while3A_48 = %while3A_42 to %while3A_38 step %while3A_44  : i32 {
      %mul3A_49 = arith.constant 2 : i32
      %mul3A_50 = arith.muli %while3A_48, %mul3A_49 : i32
      %add3A_51 = arith.constant 0 : i32
      %add3A_52 = arith.addi %mul3A_50, %add3A_51 : i32
      %dma_wait3A = arith.constant 0 : i32
      %dma_wait3A_53 = arith.constant 0 : i32
      %dma_wait3A_54 = tpu.memref_slice %arg2[%dma_wait3A, %dma_wait3A_53] : memref<10240x128xf32, #tpu.memory_space<hbm>> -> memref<10240x128xf32, #tpu.memory_space<hbm>>
      tpu.wait_indirect_dma semaphore(%arg14 : memref<!tpu.dma_semaphore, #tpu.memory_space<semaphore_mem>>) src(%dma_wait3A_54 : memref<10240x128xf32, #tpu.memory_space<hbm>>) dst(%arg12 : memref<104x128xf32, #tpu.memory_space<vmem>>)
      %dma_start3A_55 = arith.constant 0 : i32
      %dma_start3A_56 = arith.constant 0 : i32
      %dma_start3A_57 = tpu.memref_slice %arg7[%dma_start3A_55, %dma_start3A_56] : memref<10240x128xf32, #tpu.memory_space<vmem_shared>> -> memref<10240x128xf32, #tpu.memory_space<vmem_shared>>
      tpu.enqueue_indirect_dma source(%arg12 : memref<104x128xf32, #tpu.memory_space<vmem>>) target(%dma_start3A_57 : memref<10240x128xf32, #tpu.memory_space<vmem_shared>>) offsets(%arg10 : memref<104xi32, #tpu.memory_space<vmem>>) semaphore(%arg16 : memref<!tpu.dma_semaphore, #tpu.memory_space<semaphore_mem>>) {add = true}
      %dma_wait3A_58 = arith.constant 0 : i32
      %dma_wait3A_59 = arith.constant 0 : i32
      %dma_wait3A_60 = tpu.memref_slice %arg7[%dma_wait3A_58, %dma_wait3A_59] : memref<10240x128xf32, #tpu.memory_space<vmem_shared>> -> memref<10240x128xf32, #tpu.memory_space<vmem_shared>>
      tpu.wait_indirect_dma semaphore(%arg16 : memref<!tpu.dma_semaphore, #tpu.memory_space<semaphore_mem>>) src(%arg12 : memref<104x128xf32, #tpu.memory_space<vmem>>) dst(%dma_wait3A_60 : memref<10240x128xf32, #tpu.memory_space<vmem_shared>>)
      %add3A_61 = arith.constant 2 : i32
      %add3A_62 = arith.addi %add3A_52, %add3A_61 : i32
      %lt3A = arith.cmpi slt, %add3A_62, %select_n3A_7 : i32
      %convert_element_type3A = arith.extui %lt3A : i1 to i32
      %cond3A = arith.constant 0 : i32
      %cond3A_63 = arith.cmpi ne, %convert_element_type3A, %cond3A : i32
      scf.if %cond3A_63 {
        %add3A_83 = arith.constant 2 : i32
        %add3A_84 = arith.addi %add3A_52, %add3A_83 : i32
        %mul3A_85 = arith.constant 104 : i32
        %mul3A_86 = arith.muli %add3A_84, %mul3A_85 : i32
        %add3A_87 = arith.addi %add3A, %mul3A_86 : i32
        %multiple_of3A_88 = tpu.assume_multiple %add3A_87, 8 : i32
        "tpu.region"() ({
          %run_scoped3A = tpu.sem_alloc : memref<!tpu.dma_semaphore, #tpu.memory_space<semaphore_mem>>
          %dma_start3A_92 = tpu.memref_slice %arg3[%multiple_of3A_88] : memref<332800xi32, #tpu.memory_space<hbm>> -> memref<104xi32, #tpu.memory_space<hbm>>
          %dma_start3A_93 = tpu.memref_slice %arg3[%multiple_of3A_88] : memref<332800xi32, #tpu.memory_space<hbm>> -> memref<104xi32, #tpu.memory_space<hbm>>
          tpu.enqueue_dma source(%dma_start3A_93 : memref<104xi32, #tpu.memory_space<hbm>>) target(%arg8 : memref<104xi32, #tpu.memory_space<vmem>>) target_semaphore(%run_scoped3A : memref<!tpu.dma_semaphore, #tpu.memory_space<semaphore_mem>>)
          %dma_wait3A_94 = tpu.memref_slice %arg3[%multiple_of3A_88] : memref<332800xi32, #tpu.memory_space<hbm>> -> memref<104xi32, #tpu.memory_space<hbm>>
          %dma_wait3A_95 = tpu.memref_slice %arg3[%multiple_of3A_88] : memref<332800xi32, #tpu.memory_space<hbm>> -> memref<104xi32, #tpu.memory_space<hbm>>
          tpu.wait_dma2 semaphore(%run_scoped3A : memref<!tpu.dma_semaphore, #tpu.memory_space<semaphore_mem>>) src(%dma_wait3A_95 : memref<104xi32, #tpu.memory_space<hbm>>) dst(%arg8 : memref<104xi32, #tpu.memory_space<vmem>>)
          tpu.yield
        }) : () -> ()
        "tpu.region"() ({
          %run_scoped3A = tpu.sem_alloc : memref<!tpu.dma_semaphore, #tpu.memory_space<semaphore_mem>>
          %dma_start3A_92 = tpu.memref_slice %arg4[%multiple_of3A_88] : memref<332800xi32, #tpu.memory_space<hbm>> -> memref<104xi32, #tpu.memory_space<hbm>>
          %dma_start3A_93 = tpu.memref_slice %arg4[%multiple_of3A_88] : memref<332800xi32, #tpu.memory_space<hbm>> -> memref<104xi32, #tpu.memory_space<hbm>>
          tpu.enqueue_dma source(%dma_start3A_93 : memref<104xi32, #tpu.memory_space<hbm>>) target(%arg10 : memref<104xi32, #tpu.memory_space<vmem>>) target_semaphore(%run_scoped3A : memref<!tpu.dma_semaphore, #tpu.memory_space<semaphore_mem>>)
          %dma_wait3A_94 = tpu.memref_slice %arg4[%multiple_of3A_88] : memref<332800xi32, #tpu.memory_space<hbm>> -> memref<104xi32, #tpu.memory_space<hbm>>
          %dma_wait3A_95 = tpu.memref_slice %arg4[%multiple_of3A_88] : memref<332800xi32, #tpu.memory_space<hbm>> -> memref<104xi32, #tpu.memory_space<hbm>>
          tpu.wait_dma2 semaphore(%run_scoped3A : memref<!tpu.dma_semaphore, #tpu.memory_space<semaphore_mem>>) src(%dma_wait3A_95 : memref<104xi32, #tpu.memory_space<hbm>>) dst(%arg10 : memref<104xi32, #tpu.memory_space<vmem>>)
          tpu.yield
        }) : () -> ()
        %dma_start3A_89 = arith.constant 0 : i32
        %dma_start3A_90 = arith.constant 0 : i32
        %dma_start3A_91 = tpu.memref_slice %arg2[%dma_start3A_89, %dma_start3A_90] : memref<10240x128xf32, #tpu.memory_space<hbm>> -> memref<10240x128xf32, #tpu.memory_space<hbm>>
        tpu.enqueue_indirect_dma source(%dma_start3A_91 : memref<10240x128xf32, #tpu.memory_space<hbm>>) target(%arg12 : memref<104x128xf32, #tpu.memory_space<vmem>>) offsets(%arg8 : memref<104xi32, #tpu.memory_space<vmem>>) semaphore(%arg14 : memref<!tpu.dma_semaphore, #tpu.memory_space<semaphore_mem>>)
      } else {
      }
      %mul3A_64 = arith.constant 2 : i32
      %mul3A_65 = arith.muli %while3A_48, %mul3A_64 : i32
      %add3A_66 = arith.constant 1 : i32
      %add3A_67 = arith.addi %mul3A_65, %add3A_66 : i32
      %dma_wait3A_68 = arith.constant 0 : i32
      %dma_wait3A_69 = arith.constant 0 : i32
      %dma_wait3A_70 = tpu.memref_slice %arg2[%dma_wait3A_68, %dma_wait3A_69] : memref<10240x128xf32, #tpu.memory_space<hbm>> -> memref<10240x128xf32, #tpu.memory_space<hbm>>
      tpu.wait_indirect_dma semaphore(%arg15 : memref<!tpu.dma_semaphore, #tpu.memory_space<semaphore_mem>>) src(%dma_wait3A_70 : memref<10240x128xf32, #tpu.memory_space<hbm>>) dst(%arg13 : memref<104x128xf32, #tpu.memory_space<vmem>>)
      %dma_start3A_71 = arith.constant 0 : i32
      %dma_start3A_72 = arith.constant 0 : i32
      %dma_start3A_73 = tpu.memref_slice %arg7[%dma_start3A_71, %dma_start3A_72] : memref<10240x128xf32, #tpu.memory_space<vmem_shared>> -> memref<10240x128xf32, #tpu.memory_space<vmem_shared>>
      tpu.enqueue_indirect_dma source(%arg13 : memref<104x128xf32, #tpu.memory_space<vmem>>) target(%dma_start3A_73 : memref<10240x128xf32, #tpu.memory_space<vmem_shared>>) offsets(%arg11 : memref<104xi32, #tpu.memory_space<vmem>>) semaphore(%arg17 : memref<!tpu.dma_semaphore, #tpu.memory_space<semaphore_mem>>) {add = true}
      %dma_wait3A_74 = arith.constant 0 : i32
      %dma_wait3A_75 = arith.constant 0 : i32
      %dma_wait3A_76 = tpu.memref_slice %arg7[%dma_wait3A_74, %dma_wait3A_75] : memref<10240x128xf32, #tpu.memory_space<vmem_shared>> -> memref<10240x128xf32, #tpu.memory_space<vmem_shared>>
      tpu.wait_indirect_dma semaphore(%arg17 : memref<!tpu.dma_semaphore, #tpu.memory_space<semaphore_mem>>) src(%arg13 : memref<104x128xf32, #tpu.memory_space<vmem>>) dst(%dma_wait3A_76 : memref<10240x128xf32, #tpu.memory_space<vmem_shared>>)
      %add3A_77 = arith.constant 2 : i32
      %add3A_78 = arith.addi %add3A_67, %add3A_77 : i32
      %lt3A_79 = arith.cmpi slt, %add3A_78, %select_n3A_7 : i32
      %convert_element_type3A_80 = arith.extui %lt3A_79 : i1 to i32
      %cond3A_81 = arith.constant 0 : i32
      %cond3A_82 = arith.cmpi ne, %convert_element_type3A_80, %cond3A_81 : i32
      scf.if %cond3A_82 {
        %add3A_83 = arith.constant 2 : i32
        %add3A_84 = arith.addi %add3A_67, %add3A_83 : i32
        %mul3A_85 = arith.constant 104 : i32
        %mul3A_86 = arith.muli %add3A_84, %mul3A_85 : i32
        %add3A_87 = arith.addi %add3A, %mul3A_86 : i32
        %multiple_of3A_88 = tpu.assume_multiple %add3A_87, 8 : i32
        "tpu.region"() ({
          %run_scoped3A = tpu.sem_alloc : memref<!tpu.dma_semaphore, #tpu.memory_space<semaphore_mem>>
          %dma_start3A_92 = tpu.memref_slice %arg3[%multiple_of3A_88] : memref<332800xi32, #tpu.memory_space<hbm>> -> memref<104xi32, #tpu.memory_space<hbm>>
          %dma_start3A_93 = tpu.memref_slice %arg3[%multiple_of3A_88] : memref<332800xi32, #tpu.memory_space<hbm>> -> memref<104xi32, #tpu.memory_space<hbm>>
          tpu.enqueue_dma source(%dma_start3A_93 : memref<104xi32, #tpu.memory_space<hbm>>) target(%arg9 : memref<104xi32, #tpu.memory_space<vmem>>) target_semaphore(%run_scoped3A : memref<!tpu.dma_semaphore, #tpu.memory_space<semaphore_mem>>)
          %dma_wait3A_94 = tpu.memref_slice %arg3[%multiple_of3A_88] : memref<332800xi32, #tpu.memory_space<hbm>> -> memref<104xi32, #tpu.memory_space<hbm>>
          %dma_wait3A_95 = tpu.memref_slice %arg3[%multiple_of3A_88] : memref<332800xi32, #tpu.memory_space<hbm>> -> memref<104xi32, #tpu.memory_space<hbm>>
          tpu.wait_dma2 semaphore(%run_scoped3A : memref<!tpu.dma_semaphore, #tpu.memory_space<semaphore_mem>>) src(%dma_wait3A_95 : memref<104xi32, #tpu.memory_space<hbm>>) dst(%arg9 : memref<104xi32, #tpu.memory_space<vmem>>)
          tpu.yield
        }) : () -> ()
        "tpu.region"() ({
          %run_scoped3A = tpu.sem_alloc : memref<!tpu.dma_semaphore, #tpu.memory_space<semaphore_mem>>
          %dma_start3A_92 = tpu.memref_slice %arg4[%multiple_of3A_88] : memref<332800xi32, #tpu.memory_space<hbm>> -> memref<104xi32, #tpu.memory_space<hbm>>
          %dma_start3A_93 = tpu.memref_slice %arg4[%multiple_of3A_88] : memref<332800xi32, #tpu.memory_space<hbm>> -> memref<104xi32, #tpu.memory_space<hbm>>
          tpu.enqueue_dma source(%dma_start3A_93 : memref<104xi32, #tpu.memory_space<hbm>>) target(%arg11 : memref<104xi32, #tpu.memory_space<vmem>>) target_semaphore(%run_scoped3A : memref<!tpu.dma_semaphore, #tpu.memory_space<semaphore_mem>>)
          %dma_wait3A_94 = tpu.memref_slice %arg4[%multiple_of3A_88] : memref<332800xi32, #tpu.memory_space<hbm>> -> memref<104xi32, #tpu.memory_space<hbm>>
          %dma_wait3A_95 = tpu.memref_slice %arg4[%multiple_of3A_88] : memref<332800xi32, #tpu.memory_space<hbm>> -> memref<104xi32, #tpu.memory_space<hbm>>
          tpu.wait_dma2 semaphore(%run_scoped3A : memref<!tpu.dma_semaphore, #tpu.memory_space<semaphore_mem>>) src(%dma_wait3A_95 : memref<104xi32, #tpu.memory_space<hbm>>) dst(%arg11 : memref<104xi32, #tpu.memory_space<vmem>>)
          tpu.yield
        }) : () -> ()
        %dma_start3A_89 = arith.constant 0 : i32
        %dma_start3A_90 = arith.constant 0 : i32
        %dma_start3A_91 = tpu.memref_slice %arg2[%dma_start3A_89, %dma_start3A_90] : memref<10240x128xf32, #tpu.memory_space<hbm>> -> memref<10240x128xf32, #tpu.memory_space<hbm>>
        tpu.enqueue_indirect_dma source(%dma_start3A_91 : memref<10240x128xf32, #tpu.memory_space<hbm>>) target(%arg13 : memref<104x128xf32, #tpu.memory_space<vmem>>) offsets(%arg9 : memref<104xi32, #tpu.memory_space<vmem>>) semaphore(%arg15 : memref<!tpu.dma_semaphore, #tpu.memory_space<semaphore_mem>>)
      } else {
      }
    }
    %barrier3A_45 = arith.constant 0 : index
    tpu.barrier barrier_id(%barrier3A_45)
    %mul3A_46 = arith.constant 640 : i32
    %mul3A_47 = arith.muli %arg1, %mul3A_46 : i32
    "tpu.region"() ({
      %run_scoped3A = tpu.sem_alloc : memref<!tpu.dma_semaphore, #tpu.memory_space<semaphore_mem>>
      %dma_start3A_48 = arith.constant 0 : i32
      %dma_start3A_49 = tpu.memref_slice %arg6[%arg0, %mul3A_47, %dma_start3A_48] : memref<2x10240x128xf32, #tpu.memory_space<hbm>> -> memref<1x640x128xf32, #tpu.memory_space<hbm>>
      %dma_start3A_50 = tpu.memref_squeeze %dma_start3A_49 : memref<1x640x128xf32, #tpu.memory_space<hbm>> -> memref<640x128xf32, #tpu.memory_space<hbm>>
      %dma_start3A_51 = arith.constant 0 : i32
      %dma_start3A_52 = tpu.memref_slice %arg7[%mul3A_47, %dma_start3A_51] : memref<10240x128xf32, #tpu.memory_space<vmem_shared>> -> memref<640x128xf32, #tpu.memory_space<vmem_shared>>
      tpu.enqueue_dma source(%dma_start3A_52 : memref<640x128xf32, #tpu.memory_space<vmem_shared>>) target(%dma_start3A_50 : memref<640x128xf32, #tpu.memory_space<hbm>>) target_semaphore(%run_scoped3A : memref<!tpu.dma_semaphore, #tpu.memory_space<semaphore_mem>>)
      %dma_wait3A = arith.constant 0 : i32
      %dma_wait3A_53 = tpu.memref_slice %arg6[%arg0, %mul3A_47, %dma_wait3A] : memref<2x10240x128xf32, #tpu.memory_space<hbm>> -> memref<1x640x128xf32, #tpu.memory_space<hbm>>
      %dma_wait3A_54 = tpu.memref_squeeze %dma_wait3A_53 : memref<1x640x128xf32, #tpu.memory_space<hbm>> -> memref<640x128xf32, #tpu.memory_space<hbm>>
      %dma_wait3A_55 = arith.constant 0 : i32
      %dma_wait3A_56 = tpu.memref_slice %arg7[%mul3A_47, %dma_wait3A_55] : memref<10240x128xf32, #tpu.memory_space<vmem_shared>> -> memref<640x128xf32, #tpu.memory_space<vmem_shared>>
      tpu.wait_dma2 semaphore(%run_scoped3A : memref<!tpu.dma_semaphore, #tpu.memory_space<semaphore_mem>>) src(%dma_wait3A_56 : memref<640x128xf32, #tpu.memory_space<vmem_shared>>) dst(%dma_wait3A_54 : memref<640x128xf32, #tpu.memory_space<hbm>>)
      tpu.yield
    }) : () -> ()
    return
  }
}

#map = affine_map<(d0, d1) -> (0)>
#map1 = affine_map<(d0, d1) -> (0, 0)>
#map2 = affine_map<(d0, d1) -> (0, 0, 0)>
module attributes {stable_mosaic.version = 14 : i64} {
  func.func @_sc_cnt(%arg0: i32, %arg1: i32, %arg2: memref<332800xi32, #tpu.memory_space<hbm>>, %arg3: memref<332800xi32, #tpu.memory_space<hbm>>, %arg4: memref<104x128xf32, #tpu.memory_space<hbm>>, %arg5: memref<104x128xf32, #tpu.memory_space<hbm>>, %arg6: memref<640x128xf32, #tpu.memory_space<hbm>>, %arg7: memref<2x10240x128xf32, #tpu.memory_space<hbm>>, %arg8: memref<10240x128xf32, #tpu.memory_space<vmem_shared>>, %arg9: memref<104xi32, #tpu.memory_space<vmem>>, %arg10: memref<104xi32, #tpu.memory_space<vmem>>, %arg11: memref<104xi32, #tpu.memory_space<vmem>>, %arg12: memref<104xi32, #tpu.memory_space<vmem>>, %arg13: memref<104x128xf32, #tpu.memory_space<vmem>>, %arg14: memref<104x128xf32, #tpu.memory_space<vmem>>, %arg15: memref<!tpu.dma_semaphore, #tpu.memory_space<semaphore_mem>>, %arg16: memref<!tpu.dma_semaphore, #tpu.memory_space<semaphore_mem>>, %arg17: memref<!tpu.dma_semaphore, #tpu.memory_space<semaphore_mem>>, %arg18: memref<!tpu.dma_semaphore, #tpu.memory_space<semaphore_mem>>, %arg19: memref<!tpu.dma_semaphore, #tpu.memory_space<semaphore_mem>>, %arg20: memref<!tpu.dma_semaphore, #tpu.memory_space<semaphore_mem>>, %arg21: memref<!tpu.dma_semaphore, #tpu.memory_space<semaphore_mem>>, %arg22: memref<!tpu.dma_semaphore, #tpu.memory_space<semaphore_mem>>) attributes {dimension_semantics = [#tpu.dimension_semantics<core_parallel>, #tpu.dimension_semantics<subcore_parallel>], iteration_bounds = array<i64: 2, 16>, scalar_prefetch = 0 : i64, scratch_operands = 15 : i64, tpu.core_type = #tpu.core_type<sc_vector_subcore>, window_params = [{transform_indices = #map}, {transform_indices = #map}, {transform_indices = #map1}, {transform_indices = #map1}, {transform_indices = #map1}, {transform_indices = #map2}]} {
    %mul3A = arith.constant 2 : i32
    %mul3A_0 = arith.muli %arg1, %mul3A : i32
    %add3A = arith.addi %mul3A_0, %arg0 : i32
    %mul3A_1 = arith.constant 640 : i32
    %mul3A_2 = arith.muli %arg1, %mul3A_1 : i32
    "tpu.region"() ({
      %run_scoped3A = tpu.sem_alloc : memref<!tpu.dma_semaphore, #tpu.memory_space<semaphore_mem>>
      %dma_start3A_25 = arith.constant 0 : i32
      %dma_start3A_26 = tpu.memref_slice %arg8[%mul3A_2, %dma_start3A_25] : memref<10240x128xf32, #tpu.memory_space<vmem_shared>> -> memref<640x128xf32, #tpu.memory_space<vmem_shared>>
      tpu.enqueue_dma source(%arg6 : memref<640x128xf32, #tpu.memory_space<hbm>>) target(%dma_start3A_26 : memref<640x128xf32, #tpu.memory_space<vmem_shared>>) target_semaphore(%run_scoped3A : memref<!tpu.dma_semaphore, #tpu.memory_space<semaphore_mem>>)
      %dma_wait3A = arith.constant 0 : i32
      %dma_wait3A_27 = tpu.memref_slice %arg8[%mul3A_2, %dma_wait3A] : memref<10240x128xf32, #tpu.memory_space<vmem_shared>> -> memref<640x128xf32, #tpu.memory_space<vmem_shared>>
      tpu.wait_dma2 semaphore(%run_scoped3A : memref<!tpu.dma_semaphore, #tpu.memory_space<semaphore_mem>>) src(%arg6 : memref<640x128xf32, #tpu.memory_space<hbm>>) dst(%dma_wait3A_27 : memref<640x128xf32, #tpu.memory_space<vmem_shared>>)
      tpu.yield
    }) : () -> ()
    "tpu.region"() ({
      %run_scoped3A = tpu.sem_alloc : memref<!tpu.dma_semaphore, #tpu.memory_space<semaphore_mem>>
      tpu.enqueue_dma source(%arg4 : memref<104x128xf32, #tpu.memory_space<hbm>>) target(%arg13 : memref<104x128xf32, #tpu.memory_space<vmem>>) target_semaphore(%run_scoped3A : memref<!tpu.dma_semaphore, #tpu.memory_space<semaphore_mem>>)
      tpu.wait_dma2 semaphore(%run_scoped3A : memref<!tpu.dma_semaphore, #tpu.memory_space<semaphore_mem>>) src(%arg4 : memref<104x128xf32, #tpu.memory_space<hbm>>) dst(%arg13 : memref<104x128xf32, #tpu.memory_space<vmem>>)
      tpu.yield
    }) : () -> ()
    "tpu.region"() ({
      %run_scoped3A = tpu.sem_alloc : memref<!tpu.dma_semaphore, #tpu.memory_space<semaphore_mem>>
      tpu.enqueue_dma source(%arg5 : memref<104x128xf32, #tpu.memory_space<hbm>>) target(%arg14 : memref<104x128xf32, #tpu.memory_space<vmem>>) target_semaphore(%run_scoped3A : memref<!tpu.dma_semaphore, #tpu.memory_space<semaphore_mem>>)
      tpu.wait_dma2 semaphore(%run_scoped3A : memref<!tpu.dma_semaphore, #tpu.memory_space<semaphore_mem>>) src(%arg5 : memref<104x128xf32, #tpu.memory_space<hbm>>) dst(%arg14 : memref<104x128xf32, #tpu.memory_space<vmem>>)
      tpu.yield
    }) : () -> ()
    %barrier3A = arith.constant 0 : index
    tpu.barrier barrier_id(%barrier3A)
    %mul3A_3 = arith.constant 10400 : i32
    %mul3A_4 = arith.muli %add3A, %mul3A_3 : i32
    %add3A_5 = arith.constant 0 : i32
    %add3A_6 = arith.addi %mul3A_4, %add3A_5 : i32
    %multiple_of3A = tpu.assume_multiple %add3A_6, 8 : i32
    %dma_start3A = tpu.memref_slice %arg2[%multiple_of3A] : memref<332800xi32, #tpu.memory_space<hbm>> -> memref<104xi32, #tpu.memory_space<hbm>>
    %dma_start3A_7 = tpu.memref_slice %arg2[%multiple_of3A] : memref<332800xi32, #tpu.memory_space<hbm>> -> memref<104xi32, #tpu.memory_space<hbm>>
    tpu.enqueue_dma source(%dma_start3A_7 : memref<104xi32, #tpu.memory_space<hbm>>) target(%arg9 : memref<104xi32, #tpu.memory_space<vmem>>) target_semaphore(%arg15 : memref<!tpu.dma_semaphore, #tpu.memory_space<semaphore_mem>>)
    %dma_start3A_8 = tpu.memref_slice %arg3[%multiple_of3A] : memref<332800xi32, #tpu.memory_space<hbm>> -> memref<104xi32, #tpu.memory_space<hbm>>
    %dma_start3A_9 = tpu.memref_slice %arg3[%multiple_of3A] : memref<332800xi32, #tpu.memory_space<hbm>> -> memref<104xi32, #tpu.memory_space<hbm>>
    tpu.enqueue_dma source(%dma_start3A_9 : memref<104xi32, #tpu.memory_space<hbm>>) target(%arg11 : memref<104xi32, #tpu.memory_space<vmem>>) target_semaphore(%arg17 : memref<!tpu.dma_semaphore, #tpu.memory_space<semaphore_mem>>)
    %add3A_10 = arith.constant 104 : i32
    %add3A_11 = arith.addi %mul3A_4, %add3A_10 : i32
    %multiple_of3A_12 = tpu.assume_multiple %add3A_11, 8 : i32
    %dma_start3A_13 = tpu.memref_slice %arg2[%multiple_of3A_12] : memref<332800xi32, #tpu.memory_space<hbm>> -> memref<104xi32, #tpu.memory_space<hbm>>
    %dma_start3A_14 = tpu.memref_slice %arg2[%multiple_of3A_12] : memref<332800xi32, #tpu.memory_space<hbm>> -> memref<104xi32, #tpu.memory_space<hbm>>
    tpu.enqueue_dma source(%dma_start3A_14 : memref<104xi32, #tpu.memory_space<hbm>>) target(%arg10 : memref<104xi32, #tpu.memory_space<vmem>>) target_semaphore(%arg16 : memref<!tpu.dma_semaphore, #tpu.memory_space<semaphore_mem>>)
    %dma_start3A_15 = tpu.memref_slice %arg3[%multiple_of3A_12] : memref<332800xi32, #tpu.memory_space<hbm>> -> memref<104xi32, #tpu.memory_space<hbm>>
    %dma_start3A_16 = tpu.memref_slice %arg3[%multiple_of3A_12] : memref<332800xi32, #tpu.memory_space<hbm>> -> memref<104xi32, #tpu.memory_space<hbm>>
    tpu.enqueue_dma source(%dma_start3A_16 : memref<104xi32, #tpu.memory_space<hbm>>) target(%arg12 : memref<104xi32, #tpu.memory_space<vmem>>) target_semaphore(%arg18 : memref<!tpu.dma_semaphore, #tpu.memory_space<semaphore_mem>>)
    %scan3A = arith.constant 0 : i32
    %scan3A_17 = arith.constant 0 : i32
    %scan3A_18 = arith.constant 50 : i32
    %scan3A_19 = arith.addi %scan3A_17, %scan3A_18 : i32
    %scan3A_20 = arith.constant 1 : i32
    scf.for %scan3A_25 = %scan3A_17 to %scan3A_19 step %scan3A_20  : i32 {
      %mul3A_26 = arith.constant 2 : i32
      %mul3A_27 = arith.muli %scan3A_25, %mul3A_26 : i32
      %add3A_28 = arith.constant 0 : i32
      %add3A_29 = arith.addi %mul3A_27, %add3A_28 : i32
      %mul3A_30 = arith.constant 104 : i32
      %mul3A_31 = arith.muli %add3A_29, %mul3A_30 : i32
      %add3A_32 = arith.addi %mul3A_4, %mul3A_31 : i32
      %multiple_of3A_33 = tpu.assume_multiple %add3A_32, 8 : i32
      %dma_wait3A = tpu.memref_slice %arg2[%multiple_of3A_33] : memref<332800xi32, #tpu.memory_space<hbm>> -> memref<104xi32, #tpu.memory_space<hbm>>
      %dma_wait3A_34 = tpu.memref_slice %arg2[%multiple_of3A_33] : memref<332800xi32, #tpu.memory_space<hbm>> -> memref<104xi32, #tpu.memory_space<hbm>>
      tpu.wait_dma2 semaphore(%arg15 : memref<!tpu.dma_semaphore, #tpu.memory_space<semaphore_mem>>) src(%dma_wait3A_34 : memref<104xi32, #tpu.memory_space<hbm>>) dst(%arg9 : memref<104xi32, #tpu.memory_space<vmem>>)
      %dma_wait3A_35 = tpu.memref_slice %arg3[%multiple_of3A_33] : memref<332800xi32, #tpu.memory_space<hbm>> -> memref<104xi32, #tpu.memory_space<hbm>>
      %dma_wait3A_36 = tpu.memref_slice %arg3[%multiple_of3A_33] : memref<332800xi32, #tpu.memory_space<hbm>> -> memref<104xi32, #tpu.memory_space<hbm>>
      tpu.wait_dma2 semaphore(%arg17 : memref<!tpu.dma_semaphore, #tpu.memory_space<semaphore_mem>>) src(%dma_wait3A_36 : memref<104xi32, #tpu.memory_space<hbm>>) dst(%arg11 : memref<104xi32, #tpu.memory_space<vmem>>)
      %dma_start3A_37 = arith.constant 0 : i32
      %dma_start3A_38 = arith.constant 0 : i32
      %dma_start3A_39 = tpu.memref_slice %arg8[%dma_start3A_37, %dma_start3A_38] : memref<10240x128xf32, #tpu.memory_space<vmem_shared>> -> memref<10240x128xf32, #tpu.memory_space<vmem_shared>>
      tpu.enqueue_indirect_dma source(%arg13 : memref<104x128xf32, #tpu.memory_space<vmem>>) target(%dma_start3A_39 : memref<10240x128xf32, #tpu.memory_space<vmem_shared>>) offsets(%arg9 : memref<104xi32, #tpu.memory_space<vmem>>) semaphore(%arg19 : memref<!tpu.dma_semaphore, #tpu.memory_space<semaphore_mem>>) {add = true}
      %dma_start3A_40 = arith.constant 0 : i32
      %dma_start3A_41 = arith.constant 0 : i32
      %dma_start3A_42 = tpu.memref_slice %arg8[%dma_start3A_40, %dma_start3A_41] : memref<10240x128xf32, #tpu.memory_space<vmem_shared>> -> memref<10240x128xf32, #tpu.memory_space<vmem_shared>>
      tpu.enqueue_indirect_dma source(%arg14 : memref<104x128xf32, #tpu.memory_space<vmem>>) target(%dma_start3A_42 : memref<10240x128xf32, #tpu.memory_space<vmem_shared>>) offsets(%arg11 : memref<104xi32, #tpu.memory_space<vmem>>) semaphore(%arg21 : memref<!tpu.dma_semaphore, #tpu.memory_space<semaphore_mem>>) {add = true}
      %dma_wait3A_43 = arith.constant 0 : i32
      %dma_wait3A_44 = arith.constant 0 : i32
      %dma_wait3A_45 = tpu.memref_slice %arg8[%dma_wait3A_43, %dma_wait3A_44] : memref<10240x128xf32, #tpu.memory_space<vmem_shared>> -> memref<10240x128xf32, #tpu.memory_space<vmem_shared>>
      tpu.wait_indirect_dma semaphore(%arg19 : memref<!tpu.dma_semaphore, #tpu.memory_space<semaphore_mem>>) src(%arg13 : memref<104x128xf32, #tpu.memory_space<vmem>>) dst(%dma_wait3A_45 : memref<10240x128xf32, #tpu.memory_space<vmem_shared>>)
      %dma_wait3A_46 = arith.constant 0 : i32
      %dma_wait3A_47 = arith.constant 0 : i32
      %dma_wait3A_48 = tpu.memref_slice %arg8[%dma_wait3A_46, %dma_wait3A_47] : memref<10240x128xf32, #tpu.memory_space<vmem_shared>> -> memref<10240x128xf32, #tpu.memory_space<vmem_shared>>
      tpu.wait_indirect_dma semaphore(%arg21 : memref<!tpu.dma_semaphore, #tpu.memory_space<semaphore_mem>>) src(%arg14 : memref<104x128xf32, #tpu.memory_space<vmem>>) dst(%dma_wait3A_48 : memref<10240x128xf32, #tpu.memory_space<vmem_shared>>)
      %add3A_49 = arith.constant 2 : i32
      %add3A_50 = arith.addi %add3A_29, %add3A_49 : i32
      %lt3A = arith.constant 100 : i32
      %lt3A_51 = arith.cmpi slt, %add3A_50, %lt3A : i32
      %convert_element_type3A = arith.extui %lt3A_51 : i1 to i32
      %cond3A = arith.constant 0 : i32
      %cond3A_52 = arith.cmpi ne, %convert_element_type3A, %cond3A : i32
      scf.if %cond3A_52 {
        %add3A_84 = arith.constant 2 : i32
        %add3A_85 = arith.addi %add3A_29, %add3A_84 : i32
        %mul3A_86 = arith.constant 104 : i32
        %mul3A_87 = arith.muli %add3A_85, %mul3A_86 : i32
        %add3A_88 = arith.addi %mul3A_4, %mul3A_87 : i32
        %multiple_of3A_89 = tpu.assume_multiple %add3A_88, 8 : i32
        %dma_start3A_90 = tpu.memref_slice %arg2[%multiple_of3A_89] : memref<332800xi32, #tpu.memory_space<hbm>> -> memref<104xi32, #tpu.memory_space<hbm>>
        %dma_start3A_91 = tpu.memref_slice %arg2[%multiple_of3A_89] : memref<332800xi32, #tpu.memory_space<hbm>> -> memref<104xi32, #tpu.memory_space<hbm>>
        tpu.enqueue_dma source(%dma_start3A_91 : memref<104xi32, #tpu.memory_space<hbm>>) target(%arg9 : memref<104xi32, #tpu.memory_space<vmem>>) target_semaphore(%arg15 : memref<!tpu.dma_semaphore, #tpu.memory_space<semaphore_mem>>)
        %dma_start3A_92 = tpu.memref_slice %arg3[%multiple_of3A_89] : memref<332800xi32, #tpu.memory_space<hbm>> -> memref<104xi32, #tpu.memory_space<hbm>>
        %dma_start3A_93 = tpu.memref_slice %arg3[%multiple_of3A_89] : memref<332800xi32, #tpu.memory_space<hbm>> -> memref<104xi32, #tpu.memory_space<hbm>>
        tpu.enqueue_dma source(%dma_start3A_93 : memref<104xi32, #tpu.memory_space<hbm>>) target(%arg11 : memref<104xi32, #tpu.memory_space<vmem>>) target_semaphore(%arg17 : memref<!tpu.dma_semaphore, #tpu.memory_space<semaphore_mem>>)
      } else {
      }
      %mul3A_53 = arith.constant 2 : i32
      %mul3A_54 = arith.muli %scan3A_25, %mul3A_53 : i32
      %add3A_55 = arith.constant 1 : i32
      %add3A_56 = arith.addi %mul3A_54, %add3A_55 : i32
      %mul3A_57 = arith.constant 104 : i32
      %mul3A_58 = arith.muli %add3A_56, %mul3A_57 : i32
      %add3A_59 = arith.addi %mul3A_4, %mul3A_58 : i32
      %multiple_of3A_60 = tpu.assume_multiple %add3A_59, 8 : i32
      %dma_wait3A_61 = tpu.memref_slice %arg2[%multiple_of3A_60] : memref<332800xi32, #tpu.memory_space<hbm>> -> memref<104xi32, #tpu.memory_space<hbm>>
      %dma_wait3A_62 = tpu.memref_slice %arg2[%multiple_of3A_60] : memref<332800xi32, #tpu.memory_space<hbm>> -> memref<104xi32, #tpu.memory_space<hbm>>
      tpu.wait_dma2 semaphore(%arg16 : memref<!tpu.dma_semaphore, #tpu.memory_space<semaphore_mem>>) src(%dma_wait3A_62 : memref<104xi32, #tpu.memory_space<hbm>>) dst(%arg10 : memref<104xi32, #tpu.memory_space<vmem>>)
      %dma_wait3A_63 = tpu.memref_slice %arg3[%multiple_of3A_60] : memref<332800xi32, #tpu.memory_space<hbm>> -> memref<104xi32, #tpu.memory_space<hbm>>
      %dma_wait3A_64 = tpu.memref_slice %arg3[%multiple_of3A_60] : memref<332800xi32, #tpu.memory_space<hbm>> -> memref<104xi32, #tpu.memory_space<hbm>>
      tpu.wait_dma2 semaphore(%arg18 : memref<!tpu.dma_semaphore, #tpu.memory_space<semaphore_mem>>) src(%dma_wait3A_64 : memref<104xi32, #tpu.memory_space<hbm>>) dst(%arg12 : memref<104xi32, #tpu.memory_space<vmem>>)
      %dma_start3A_65 = arith.constant 0 : i32
      %dma_start3A_66 = arith.constant 0 : i32
      %dma_start3A_67 = tpu.memref_slice %arg8[%dma_start3A_65, %dma_start3A_66] : memref<10240x128xf32, #tpu.memory_space<vmem_shared>> -> memref<10240x128xf32, #tpu.memory_space<vmem_shared>>
      tpu.enqueue_indirect_dma source(%arg13 : memref<104x128xf32, #tpu.memory_space<vmem>>) target(%dma_start3A_67 : memref<10240x128xf32, #tpu.memory_space<vmem_shared>>) offsets(%arg10 : memref<104xi32, #tpu.memory_space<vmem>>) semaphore(%arg20 : memref<!tpu.dma_semaphore, #tpu.memory_space<semaphore_mem>>) {add = true}
      %dma_start3A_68 = arith.constant 0 : i32
      %dma_start3A_69 = arith.constant 0 : i32
      %dma_start3A_70 = tpu.memref_slice %arg8[%dma_start3A_68, %dma_start3A_69] : memref<10240x128xf32, #tpu.memory_space<vmem_shared>> -> memref<10240x128xf32, #tpu.memory_space<vmem_shared>>
      tpu.enqueue_indirect_dma source(%arg14 : memref<104x128xf32, #tpu.memory_space<vmem>>) target(%dma_start3A_70 : memref<10240x128xf32, #tpu.memory_space<vmem_shared>>) offsets(%arg12 : memref<104xi32, #tpu.memory_space<vmem>>) semaphore(%arg22 : memref<!tpu.dma_semaphore, #tpu.memory_space<semaphore_mem>>) {add = true}
      %dma_wait3A_71 = arith.constant 0 : i32
      %dma_wait3A_72 = arith.constant 0 : i32
      %dma_wait3A_73 = tpu.memref_slice %arg8[%dma_wait3A_71, %dma_wait3A_72] : memref<10240x128xf32, #tpu.memory_space<vmem_shared>> -> memref<10240x128xf32, #tpu.memory_space<vmem_shared>>
      tpu.wait_indirect_dma semaphore(%arg20 : memref<!tpu.dma_semaphore, #tpu.memory_space<semaphore_mem>>) src(%arg13 : memref<104x128xf32, #tpu.memory_space<vmem>>) dst(%dma_wait3A_73 : memref<10240x128xf32, #tpu.memory_space<vmem_shared>>)
      %dma_wait3A_74 = arith.constant 0 : i32
      %dma_wait3A_75 = arith.constant 0 : i32
      %dma_wait3A_76 = tpu.memref_slice %arg8[%dma_wait3A_74, %dma_wait3A_75] : memref<10240x128xf32, #tpu.memory_space<vmem_shared>> -> memref<10240x128xf32, #tpu.memory_space<vmem_shared>>
      tpu.wait_indirect_dma semaphore(%arg22 : memref<!tpu.dma_semaphore, #tpu.memory_space<semaphore_mem>>) src(%arg14 : memref<104x128xf32, #tpu.memory_space<vmem>>) dst(%dma_wait3A_76 : memref<10240x128xf32, #tpu.memory_space<vmem_shared>>)
      %add3A_77 = arith.constant 2 : i32
      %add3A_78 = arith.addi %add3A_56, %add3A_77 : i32
      %lt3A_79 = arith.constant 100 : i32
      %lt3A_80 = arith.cmpi slt, %add3A_78, %lt3A_79 : i32
      %convert_element_type3A_81 = arith.extui %lt3A_80 : i1 to i32
      %cond3A_82 = arith.constant 0 : i32
      %cond3A_83 = arith.cmpi ne, %convert_element_type3A_81, %cond3A_82 : i32
      scf.if %cond3A_83 {
        %add3A_84 = arith.constant 2 : i32
        %add3A_85 = arith.addi %add3A_56, %add3A_84 : i32
        %mul3A_86 = arith.constant 104 : i32
        %mul3A_87 = arith.muli %add3A_85, %mul3A_86 : i32
        %add3A_88 = arith.addi %mul3A_4, %mul3A_87 : i32
        %multiple_of3A_89 = tpu.assume_multiple %add3A_88, 8 : i32
        %dma_start3A_90 = tpu.memref_slice %arg2[%multiple_of3A_89] : memref<332800xi32, #tpu.memory_space<hbm>> -> memref<104xi32, #tpu.memory_space<hbm>>
        %dma_start3A_91 = tpu.memref_slice %arg2[%multiple_of3A_89] : memref<332800xi32, #tpu.memory_space<hbm>> -> memref<104xi32, #tpu.memory_space<hbm>>
        tpu.enqueue_dma source(%dma_start3A_91 : memref<104xi32, #tpu.memory_space<hbm>>) target(%arg10 : memref<104xi32, #tpu.memory_space<vmem>>) target_semaphore(%arg16 : memref<!tpu.dma_semaphore, #tpu.memory_space<semaphore_mem>>)
        %dma_start3A_92 = tpu.memref_slice %arg3[%multiple_of3A_89] : memref<332800xi32, #tpu.memory_space<hbm>> -> memref<104xi32, #tpu.memory_space<hbm>>
        %dma_start3A_93 = tpu.memref_slice %arg3[%multiple_of3A_89] : memref<332800xi32, #tpu.memory_space<hbm>> -> memref<104xi32, #tpu.memory_space<hbm>>
        tpu.enqueue_dma source(%dma_start3A_93 : memref<104xi32, #tpu.memory_space<hbm>>) target(%arg12 : memref<104xi32, #tpu.memory_space<vmem>>) target_semaphore(%arg18 : memref<!tpu.dma_semaphore, #tpu.memory_space<semaphore_mem>>)
      } else {
      }
    }
    %scan3A_21 = arith.constant 50 : i32
    %barrier3A_22 = arith.constant 0 : index
    tpu.barrier barrier_id(%barrier3A_22)
    %mul3A_23 = arith.constant 640 : i32
    %mul3A_24 = arith.muli %arg1, %mul3A_23 : i32
    "tpu.region"() ({
      %run_scoped3A = tpu.sem_alloc : memref<!tpu.dma_semaphore, #tpu.memory_space<semaphore_mem>>
      %dma_start3A_25 = arith.constant 0 : i32
      %dma_start3A_26 = tpu.memref_slice %arg7[%arg0, %mul3A_24, %dma_start3A_25] : memref<2x10240x128xf32, #tpu.memory_space<hbm>> -> memref<1x640x128xf32, #tpu.memory_space<hbm>>
      %dma_start3A_27 = tpu.memref_squeeze %dma_start3A_26 : memref<1x640x128xf32, #tpu.memory_space<hbm>> -> memref<640x128xf32, #tpu.memory_space<hbm>>
      %dma_start3A_28 = arith.constant 0 : i32
      %dma_start3A_29 = tpu.memref_slice %arg8[%mul3A_24, %dma_start3A_28] : memref<10240x128xf32, #tpu.memory_space<vmem_shared>> -> memref<640x128xf32, #tpu.memory_space<vmem_shared>>
      tpu.enqueue_dma source(%dma_start3A_29 : memref<640x128xf32, #tpu.memory_space<vmem_shared>>) target(%dma_start3A_27 : memref<640x128xf32, #tpu.memory_space<hbm>>) target_semaphore(%run_scoped3A : memref<!tpu.dma_semaphore, #tpu.memory_space<semaphore_mem>>)
      %dma_wait3A = arith.constant 0 : i32
      %dma_wait3A_30 = tpu.memref_slice %arg7[%arg0, %mul3A_24, %dma_wait3A] : memref<2x10240x128xf32, #tpu.memory_space<hbm>> -> memref<1x640x128xf32, #tpu.memory_space<hbm>>
      %dma_wait3A_31 = tpu.memref_squeeze %dma_wait3A_30 : memref<1x640x128xf32, #tpu.memory_space<hbm>> -> memref<640x128xf32, #tpu.memory_space<hbm>>
      %dma_wait3A_32 = arith.constant 0 : i32
      %dma_wait3A_33 = tpu.memref_slice %arg8[%mul3A_24, %dma_wait3A_32] : memref<10240x128xf32, #tpu.memory_space<vmem_shared>> -> memref<640x128xf32, #tpu.memory_space<vmem_shared>>
      tpu.wait_dma2 semaphore(%run_scoped3A : memref<!tpu.dma_semaphore, #tpu.memory_space<semaphore_mem>>) src(%dma_wait3A_33 : memref<640x128xf32, #tpu.memory_space<vmem_shared>>) dst(%dma_wait3A_31 : memref<640x128xf32, #tpu.memory_space<hbm>>)
      tpu.yield
    }) : () -> ()
    return
  }
}

module attributes {stable_mosaic.version = 14 : i64} {
  func.func @_fold_body(%arg0: memref<2x10240x128xf32, #tpu.memory_space<vmem>>, %arg1: memref<2x10240x1xf32, #tpu.memory_space<vmem>>, %arg2: memref<10240x128xf32, #tpu.memory_space<vmem>>, %arg3: memref<1x256xf32, #tpu.memory_space<vmem>>, %arg4: memref<1x256xf32, #tpu.memory_space<vmem>>, %arg5: memref<256x128xf32, #tpu.memory_space<vmem>>, %arg6: memref<1x128xf32, #tpu.memory_space<vmem>>, %arg7: memref<10240x128xf32, #tpu.memory_space<vmem>>, %arg8: memref<10240x128xf32, #tpu.memory_space<vmem>>) attributes {dimension_semantics = [], scalar_prefetch = 0 : i64, scratch_operands = 0 : i64, tpu.core_type = #tpu.core_type<tc>} {
    %get3A = arith.constant 0 : index
    %get3A_0 = arith.constant 0 : index
    %get3A_1 = arith.constant 0 : index
    %get3A_2 = vector.load %arg0[%get3A, %get3A_0, %get3A_1] : memref<2x10240x128xf32, #tpu.memory_space<vmem>>, vector<1x10240x128xf32>
    %get3A_3 = vector.shape_cast %get3A_2 : vector<1x10240x128xf32> to vector<10240x128xf32>
    %get3A_4 = arith.constant 1 : index
    %get3A_5 = arith.constant 0 : index
    %get3A_6 = arith.constant 0 : index
    %get3A_7 = vector.load %arg0[%get3A_4, %get3A_5, %get3A_6] : memref<2x10240x128xf32, #tpu.memory_space<vmem>>, vector<1x10240x128xf32>
    %get3A_8 = vector.shape_cast %get3A_7 : vector<1x10240x128xf32> to vector<10240x128xf32>
    %add3A = arith.addf %get3A_3, %get3A_8 : vector<10240x128xf32>
    %get3A_9 = arith.constant 0 : index
    %get3A_10 = arith.constant 0 : index
    %get3A_11 = arith.constant 0 : index
    %get3A_12 = vector.load %arg1[%get3A_9, %get3A_10, %get3A_11] : memref<2x10240x1xf32, #tpu.memory_space<vmem>>, vector<1x10240x1xf32>
    %get3A_13 = vector.shape_cast %get3A_12 : vector<1x10240x1xf32> to vector<10240x1xf32>
    %get3A_14 = arith.constant 1 : index
    %get3A_15 = arith.constant 0 : index
    %get3A_16 = arith.constant 0 : index
    %get3A_17 = vector.load %arg1[%get3A_14, %get3A_15, %get3A_16] : memref<2x10240x1xf32, #tpu.memory_space<vmem>>, vector<1x10240x1xf32>
    %get3A_18 = vector.shape_cast %get3A_17 : vector<1x10240x1xf32> to vector<10240x1xf32>
    %add3A_19 = arith.addf %get3A_13, %get3A_18 : vector<10240x1xf32>
    %floor3A = math.floor %add3A_19 : vector<10240x1xf32>
    %sub3A = arith.subf %add3A_19, %floor3A : vector<10240x1xf32>
    %div3A = arith.constant 9.765625E-4 : f32
    %div3A_20 = vector.broadcast %div3A : f32 to vector<10240x1xf32>
    %div3A_21 = arith.divf %sub3A, %div3A_20 : vector<10240x1xf32>
    %add3A_22 = arith.constant 5.000000e-01 : f32
    %add3A_23 = vector.broadcast %add3A_22 : f32 to vector<10240x1xf32>
    %add3A_24 = arith.addf %div3A_21, %add3A_23 : vector<10240x1xf32>
    %floor3A_25 = math.floor %add3A_24 : vector<10240x1xf32>
    %get3A_26 = arith.constant 0 : index
    %get3A_27 = arith.constant 0 : index
    %get3A_28 = vector.load %arg2[%get3A_26, %get3A_27] : memref<10240x128xf32, #tpu.memory_space<vmem>>, vector<10240x128xf32>
    %mul3A = vector.broadcast %floor3A : vector<10240x1xf32> to vector<10240x128xf32>
    %mul3A_29 = arith.mulf %mul3A, %get3A_28 : vector<10240x128xf32>
    %reduce_sum3A = arith.constant dense<0.000000e+00> : vector<128xf32>
    %reduce_sum3A_30 = vector.multi_reduction <add>, %mul3A_29, %reduce_sum3A [0] : vector<10240x128xf32> to vector<128xf32>
    %broadcast_in_dim3A = vector.shape_cast %reduce_sum3A_30 : vector<128xf32> to vector<1x128xf32>
    %mul3A_31 = arith.mulf %get3A_28, %get3A_28 : vector<10240x128xf32>
    %mul3A_32 = vector.broadcast %floor3A : vector<10240x1xf32> to vector<10240x128xf32>
    %mul3A_33 = arith.mulf %mul3A_32, %mul3A_31 : vector<10240x128xf32>
    %reduce_sum3A_34 = arith.constant dense<0.000000e+00> : vector<128xf32>
    %reduce_sum3A_35 = vector.multi_reduction <add>, %mul3A_33, %reduce_sum3A_34 [0] : vector<10240x128xf32> to vector<128xf32>
    %broadcast_in_dim3A_36 = vector.shape_cast %reduce_sum3A_35 : vector<128xf32> to vector<1x128xf32>
    %mul3A_37 = vector.broadcast %floor3A_25 : vector<10240x1xf32> to vector<10240x128xf32>
    %mul3A_38 = arith.mulf %mul3A_37, %add3A : vector<10240x128xf32>
    %reduce_sum3A_39 = arith.constant dense<0.000000e+00> : vector<128xf32>
    %reduce_sum3A_40 = vector.multi_reduction <add>, %mul3A_38, %reduce_sum3A_39 [0] : vector<10240x128xf32> to vector<128xf32>
    %broadcast_in_dim3A_41 = vector.shape_cast %reduce_sum3A_40 : vector<128xf32> to vector<1x128xf32>
    %mul3A_42 = arith.mulf %add3A, %add3A : vector<10240x128xf32>
    %mul3A_43 = vector.broadcast %floor3A_25 : vector<10240x1xf32> to vector<10240x128xf32>
    %mul3A_44 = arith.mulf %mul3A_43, %mul3A_42 : vector<10240x128xf32>
    %reduce_sum3A_45 = arith.constant dense<0.000000e+00> : vector<128xf32>
    %reduce_sum3A_46 = vector.multi_reduction <add>, %mul3A_44, %reduce_sum3A_45 [0] : vector<10240x128xf32> to vector<128xf32>
    %broadcast_in_dim3A_47 = vector.shape_cast %reduce_sum3A_46 : vector<128xf32> to vector<1x128xf32>
    %div3A_48 = arith.constant 3.300000e+05 : f32
    %div3A_49 = vector.broadcast %div3A_48 : f32 to vector<1x128xf32>
    %div3A_50 = arith.divf %broadcast_in_dim3A, %div3A_49 : vector<1x128xf32>
    %div3A_51 = arith.constant 3.300000e+05 : f32
    %div3A_52 = vector.broadcast %div3A_51 : f32 to vector<1x128xf32>
    %div3A_53 = arith.divf %broadcast_in_dim3A_36, %div3A_52 : vector<1x128xf32>
    %mul3A_54 = arith.mulf %div3A_50, %div3A_50 : vector<1x128xf32>
    %sub3A_55 = arith.subf %div3A_53, %mul3A_54 : vector<1x128xf32>
    %div3A_56 = arith.constant 3.300000e+05 : f32
    %div3A_57 = vector.broadcast %div3A_56 : f32 to vector<1x128xf32>
    %div3A_58 = arith.divf %broadcast_in_dim3A_41, %div3A_57 : vector<1x128xf32>
    %div3A_59 = arith.constant 3.300000e+05 : f32
    %div3A_60 = vector.broadcast %div3A_59 : f32 to vector<1x128xf32>
    %div3A_61 = arith.divf %broadcast_in_dim3A_47, %div3A_60 : vector<1x128xf32>
    %mul3A_62 = arith.mulf %div3A_58, %div3A_58 : vector<1x128xf32>
    %sub3A_63 = arith.subf %div3A_61, %mul3A_62 : vector<1x128xf32>
    %get3A_64 = arith.constant 0 : index
    %get3A_65 = arith.constant 0 : index
    %get3A_66 = vector.load %arg3[%get3A_64, %get3A_65] : memref<1x256xf32, #tpu.memory_space<vmem>>, vector<1x256xf32>
    %get3A_67 = arith.constant 0 : index
    %get3A_68 = arith.constant 0 : index
    %get3A_69 = vector.load %arg4[%get3A_67, %get3A_68] : memref<1x256xf32, #tpu.memory_space<vmem>>, vector<1x256xf32>
    %slice3A = vector.extract_strided_slice %get3A_66 {offsets = [0, 0], sizes = [1, 128], strides = [1, 1]} : vector<1x256xf32> to vector<1x128xf32>
    %add3A_70 = arith.constant 9.99999974E-6 : f32
    %add3A_71 = vector.broadcast %add3A_70 : f32 to vector<1x128xf32>
    %add3A_72 = arith.addf %sub3A_55, %add3A_71 : vector<1x128xf32>
    %rsqrt3A = math.rsqrt %add3A_72 : vector<1x128xf32>
    %mul3A_73 = arith.mulf %slice3A, %rsqrt3A : vector<1x128xf32>
    %slice3A_74 = vector.extract_strided_slice %get3A_66 {offsets = [0, 128], sizes = [1, 128], strides = [1, 1]} : vector<1x256xf32> to vector<1x128xf32>
    %add3A_75 = arith.constant 9.99999974E-6 : f32
    %add3A_76 = vector.broadcast %add3A_75 : f32 to vector<1x128xf32>
    %add3A_77 = arith.addf %sub3A_63, %add3A_76 : vector<1x128xf32>
    %rsqrt3A_78 = math.rsqrt %add3A_77 : vector<1x128xf32>
    %mul3A_79 = arith.mulf %slice3A_74, %rsqrt3A_78 : vector<1x128xf32>
    %slice3A_80 = vector.extract_strided_slice %get3A_69 {offsets = [0, 0], sizes = [1, 128], strides = [1, 1]} : vector<1x256xf32> to vector<1x128xf32>
    %mul3A_81 = arith.mulf %div3A_50, %mul3A_73 : vector<1x128xf32>
    %sub3A_82 = arith.subf %slice3A_80, %mul3A_81 : vector<1x128xf32>
    %slice3A_83 = vector.extract_strided_slice %get3A_69 {offsets = [0, 128], sizes = [1, 128], strides = [1, 1]} : vector<1x256xf32> to vector<1x128xf32>
    %mul3A_84 = arith.mulf %div3A_58, %mul3A_79 : vector<1x128xf32>
    %sub3A_85 = arith.subf %slice3A_83, %mul3A_84 : vector<1x128xf32>
    %get3A_86 = arith.constant 0 : index
    %get3A_87 = arith.constant 0 : index
    %get3A_88 = vector.load %arg5[%get3A_86, %get3A_87] : memref<256x128xf32, #tpu.memory_space<vmem>>, vector<128x128xf32>
    %get3A_89 = arith.constant 128 : index
    %get3A_90 = arith.constant 0 : index
    %get3A_91 = vector.load %arg5[%get3A_89, %get3A_90] : memref<256x128xf32, #tpu.memory_space<vmem>>, vector<128x128xf32>
    %get3A_92 = arith.constant 0 : index
    %get3A_93 = arith.constant 0 : index
    %get3A_94 = vector.load %arg6[%get3A_92, %get3A_93] : memref<1x128xf32, #tpu.memory_space<vmem>>, vector<1x128xf32>
    %dot_general3A = arith.constant dense<0.000000e+00> : vector<1x128xf32>
    %dot_general3A_95 = tpu.matmul %sub3A_82, %get3A_88, %dot_general3A {dimension_numbers = #tpu.dot_dimension_numbers<[1], [0], [0], [1], [0, 0, 1, 1], [], []>, transpose_lhs_hint = false} : vector<1x128xf32>, vector<128x128xf32>, vector<1x128xf32> -> vector<1x128xf32>
    %add3A_96 = arith.addf %get3A_94, %dot_general3A_95 : vector<1x128xf32>
    %dot_general3A_97 = arith.constant dense<0.000000e+00> : vector<1x128xf32>
    %dot_general3A_98 = tpu.matmul %sub3A_85, %get3A_91, %dot_general3A_97 {dimension_numbers = #tpu.dot_dimension_numbers<[1], [0], [0], [1], [0, 0, 1, 1], [], []>, transpose_lhs_hint = false} : vector<1x128xf32>, vector<128x128xf32>, vector<1x128xf32> -> vector<1x128xf32>
    %add3A_99 = arith.addf %add3A_96, %dot_general3A_98 : vector<1x128xf32>
    %mul3A_100 = vector.broadcast %mul3A_73 : vector<1x128xf32> to vector<10240x128xf32>
    %mul3A_101 = arith.mulf %get3A_28, %mul3A_100 : vector<10240x128xf32>
    %dot_general3A_102 = arith.constant dense<0.000000e+00> : vector<10240x128xf32>
    %dot_general3A_103 = tpu.matmul %mul3A_101, %get3A_88, %dot_general3A_102 {dimension_numbers = #tpu.dot_dimension_numbers<[1], [0], [0], [1], [0, 0, 1, 1], [], []>, transpose_lhs_hint = false} : vector<10240x128xf32>, vector<128x128xf32>, vector<10240x128xf32> -> vector<10240x128xf32>
    %add3A_104 = vector.broadcast %add3A_99 : vector<1x128xf32> to vector<10240x128xf32>
    %add3A_105 = arith.addf %dot_general3A_103, %add3A_104 : vector<10240x128xf32>
    %swap3A = arith.constant 0 : index
    %swap3A_106 = arith.constant 0 : index
    %swap3A_107 = vector.load %arg7[%swap3A, %swap3A_106] : memref<10240x128xf32, #tpu.memory_space<vmem>>, vector<10240x128xf32>
    tpu.vector_store %arg7[%swap3A, %swap3A_106], %add3A_105 {strides = array<i32>} : memref<10240x128xf32, #tpu.memory_space<vmem>>, vector<10240x128xf32>,
    %mul3A_108 = vector.broadcast %mul3A_79 : vector<1x128xf32> to vector<10240x128xf32>
    %mul3A_109 = arith.mulf %add3A, %mul3A_108 : vector<10240x128xf32>
    %dot_general3A_110 = arith.constant dense<0.000000e+00> : vector<10240x128xf32>
    %dot_general3A_111 = tpu.matmul %mul3A_109, %get3A_91, %dot_general3A_110 {dimension_numbers = #tpu.dot_dimension_numbers<[1], [0], [0], [1], [0, 0, 1, 1], [], []>, transpose_lhs_hint = false} : vector<10240x128xf32>, vector<128x128xf32>, vector<10240x128xf32> -> vector<10240x128xf32>
    %swap3A_112 = arith.constant 0 : index
    %swap3A_113 = arith.constant 0 : index
    %swap3A_114 = vector.load %arg8[%swap3A_112, %swap3A_113] : memref<10240x128xf32, #tpu.memory_space<vmem>>, vector<10240x128xf32>
    tpu.vector_store %arg8[%swap3A_112, %swap3A_113], %dot_general3A_111 {strides = array<i32>} : memref<10240x128xf32, #tpu.memory_space<vmem>>, vector<10240x128xf32>,
    return
  }
}

module attributes {stable_mosaic.version = 14 : i64} {
  func.func @_stats_body(%arg0: i32, %arg1: memref<2000x128xf32, #tpu.memory_space<vmem>>, %arg2: memref<2x128xf32, #tpu.memory_space<vmem>>, %arg3: memref<2000x128xbf16, #tpu.memory_space<vmem>>) attributes {dimension_semantics = [#tpu.dimension_semantics<arbitrary>], iteration_bounds = array<i64: 165>, scalar_prefetch = 0 : i64, scratch_operands = 0 : i64, tpu.core_type = #tpu.core_type<tc>, window_params = [{transform_indices = @transform_0, window_bounds = array<i64: 2000, 128>}, {pipeline_mode = #tpu.pipeline_mode<synchronous>, transform_indices = @transform_1, window_bounds = array<i64: 2, 128>}, {transform_indices = @transform_2, window_bounds = array<i64: 2000, 128>}]} {
    %eq3A = arith.constant 0 : i32
    %eq3A_0 = arith.cmpi eq, %arg0, %eq3A : i32
    %convert_element_type3A = arith.extui %eq3A_0 : i1 to i32
    %cond3A = arith.constant 0 : i32
    %cond3A_1 = arith.cmpi ne, %convert_element_type3A, %cond3A : i32
    scf.if %cond3A_1 {
      %broadcast_in_dim3A_26 = arith.constant 0.000000e+00 : f32
      %broadcast_in_dim3A_27 = vector.broadcast %broadcast_in_dim3A_26 : f32 to vector<2x128xf32>
      %swap3A_28 = arith.constant 0 : index
      %swap3A_29 = arith.constant 0 : index
      %swap3A_30 = vector.load %arg2[%swap3A_28, %swap3A_29] : memref<2x128xf32, #tpu.memory_space<vmem>>, vector<2x128xf32>
      tpu.vector_store %arg2[%swap3A_28, %swap3A_29], %broadcast_in_dim3A_27 {strides = array<i32>} : memref<2x128xf32, #tpu.memory_space<vmem>>, vector<2x128xf32>,
    } else {
    }
    %get3A = arith.constant 0 : index
    %get3A_2 = arith.constant 0 : index
    %get3A_3 = vector.load %arg1[%get3A, %get3A_2] : memref<2000x128xf32, #tpu.memory_space<vmem>>, vector<2000x128xf32>
    %max3A = arith.constant 0.000000e+00 : f32
    %max3A_4 = vector.broadcast %max3A : f32 to vector<2000x128xf32>
    %max3A_5 = arith.maximumf %get3A_3, %max3A_4 : vector<2000x128xf32>
    %get3A_6 = arith.constant 0 : index
    %get3A_7 = arith.constant 0 : index
    %get3A_8 = vector.load %arg2[%get3A_6, %get3A_7] : memref<2x128xf32, #tpu.memory_space<vmem>>, vector<1x128xf32>
    %reduce_sum3A = arith.constant dense<0.000000e+00> : vector<128xf32>
    %reduce_sum3A_9 = vector.multi_reduction <add>, %max3A_5, %reduce_sum3A [0] : vector<2000x128xf32> to vector<128xf32>
    %broadcast_in_dim3A = vector.shape_cast %reduce_sum3A_9 : vector<128xf32> to vector<1x128xf32>
    %add3A = arith.addf %get3A_8, %broadcast_in_dim3A : vector<1x128xf32>
    %swap3A = arith.constant 0 : index
    %swap3A_10 = arith.constant 0 : index
    %swap3A_11 = vector.load %arg2[%swap3A, %swap3A_10] : memref<2x128xf32, #tpu.memory_space<vmem>>, vector<1x128xf32>
    tpu.vector_store %arg2[%swap3A, %swap3A_10], %add3A {strides = array<i32>} : memref<2x128xf32, #tpu.memory_space<vmem>>, vector<1x128xf32>,
    %get3A_12 = arith.constant 1 : index
    %get3A_13 = arith.constant 0 : index
    %get3A_14 = vector.load %arg2[%get3A_12, %get3A_13] : memref<2x128xf32, #tpu.memory_space<vmem>>, vector<1x128xf32>
    %mul3A = arith.mulf %max3A_5, %max3A_5 : vector<2000x128xf32>
    %reduce_sum3A_15 = arith.constant dense<0.000000e+00> : vector<128xf32>
    %reduce_sum3A_16 = vector.multi_reduction <add>, %mul3A, %reduce_sum3A_15 [0] : vector<2000x128xf32> to vector<128xf32>
    %broadcast_in_dim3A_17 = vector.shape_cast %reduce_sum3A_16 : vector<128xf32> to vector<1x128xf32>
    %add3A_18 = arith.addf %get3A_14, %broadcast_in_dim3A_17 : vector<1x128xf32>
    %swap3A_19 = arith.constant 1 : index
    %swap3A_20 = arith.constant 0 : index
    %swap3A_21 = vector.load %arg2[%swap3A_19, %swap3A_20] : memref<2x128xf32, #tpu.memory_space<vmem>>, vector<1x128xf32>
    tpu.vector_store %arg2[%swap3A_19, %swap3A_20], %add3A_18 {strides = array<i32>} : memref<2x128xf32, #tpu.memory_space<vmem>>, vector<1x128xf32>,
    %convert_element_type3A_22 = arith.truncf %max3A_5 : vector<2000x128xf32> to vector<2000x128xbf16>
    %swap3A_23 = arith.constant 0 : index
    %swap3A_24 = arith.constant 0 : index
    %swap3A_25 = vector.load %arg3[%swap3A_23, %swap3A_24] : memref<2000x128xbf16, #tpu.memory_space<vmem>>, vector<2000x128xbf16>
    tpu.vector_store %arg3[%swap3A_23, %swap3A_24], %convert_element_type3A_22 {strides = array<i32>} : memref<2000x128xbf16, #tpu.memory_space<vmem>>, vector<2000x128xbf16>,
    return
  }
  func.func @transform_0(%arg0: i32) -> (i32, i32) {
    %c0_i32 = arith.constant 0 : i32
    %c0_i32_0 = arith.constant 0 : i32
    return %arg0, %c0_i32 : i32, i32
  }
  func.func @transform_1(%arg0: i32) -> (i32, i32) {
    %c0_i32 = arith.constant 0 : i32
    %c0_i32_0 = arith.constant 0 : i32
    %c0_i32_1 = arith.constant 0 : i32
    return %c0_i32, %c0_i32_0 : i32, i32
  }
  func.func @transform_2(%arg0: i32) -> (i32, i32) {
    %c0_i32 = arith.constant 0 : i32
    %c0_i32_0 = arith.constant 0 : i32
    return %arg0, %c0_i32 : i32, i32
  }
}

module attributes {stable_mosaic.version = 14 : i64} {
  func.func @_final_body(%arg0: i32, %arg1: memref<2000x128xbf16, #tpu.memory_space<vmem>>, %arg2: memref<2x128xf32, #tpu.memory_space<vmem>>, %arg3: memref<1x128xf32, #tpu.memory_space<vmem>>, %arg4: memref<1x128xf32, #tpu.memory_space<vmem>>, %arg5: memref<128x128xf32, #tpu.memory_space<vmem>>, %arg6: memref<1x128xf32, #tpu.memory_space<vmem>>, %arg7: memref<2000x128xf32, #tpu.memory_space<vmem>>) attributes {dimension_semantics = [#tpu.dimension_semantics<arbitrary>], iteration_bounds = array<i64: 165>, scalar_prefetch = 0 : i64, scratch_operands = 0 : i64, tpu.core_type = #tpu.core_type<tc>, window_params = [{transform_indices = @transform_0, window_bounds = array<i64: 2000, 128>}, {pipeline_mode = #tpu.pipeline_mode<synchronous>, transform_indices = @transform_1, window_bounds = array<i64: 2, 128>}, {pipeline_mode = #tpu.pipeline_mode<synchronous>, transform_indices = @transform_2, window_bounds = array<i64: 1, 128>}, {pipeline_mode = #tpu.pipeline_mode<synchronous>, transform_indices = @transform_3, window_bounds = array<i64: 1, 128>}, {pipeline_mode = #tpu.pipeline_mode<synchronous>, transform_indices = @transform_4, window_bounds = array<i64: 128, 128>}, {pipeline_mode = #tpu.pipeline_mode<synchronous>, transform_indices = @transform_5, window_bounds = array<i64: 1, 128>}, {transform_indices = @transform_6, window_bounds = array<i64: 2000, 128>}]} {
    %get3A = arith.constant 0 : index
    %get3A_0 = arith.constant 0 : index
    %get3A_1 = vector.load %arg2[%get3A, %get3A_0] : memref<2x128xf32, #tpu.memory_space<vmem>>, vector<1x128xf32>
    %div3A = arith.constant 3.300000e+05 : f32
    %div3A_2 = vector.broadcast %div3A : f32 to vector<1x128xf32>
    %div3A_3 = arith.divf %get3A_1, %div3A_2 : vector<1x128xf32>
    %get3A_4 = arith.constant 1 : index
    %get3A_5 = arith.constant 0 : index
    %get3A_6 = vector.load %arg2[%get3A_4, %get3A_5] : memref<2x128xf32, #tpu.memory_space<vmem>>, vector<1x128xf32>
    %div3A_7 = arith.constant 3.300000e+05 : f32
    %div3A_8 = vector.broadcast %div3A_7 : f32 to vector<1x128xf32>
    %div3A_9 = arith.divf %get3A_6, %div3A_8 : vector<1x128xf32>
    %mul3A = arith.mulf %div3A_3, %div3A_3 : vector<1x128xf32>
    %sub3A = arith.subf %div3A_9, %mul3A : vector<1x128xf32>
    %get3A_10 = arith.constant 0 : index
    %get3A_11 = arith.constant 0 : index
    %get3A_12 = vector.load %arg3[%get3A_10, %get3A_11] : memref<1x128xf32, #tpu.memory_space<vmem>>, vector<1x128xf32>
    %add3A = arith.constant 9.99999974E-6 : f32
    %add3A_13 = vector.broadcast %add3A : f32 to vector<1x128xf32>
    %add3A_14 = arith.addf %sub3A, %add3A_13 : vector<1x128xf32>
    %rsqrt3A = math.rsqrt %add3A_14 : vector<1x128xf32>
    %mul3A_15 = arith.mulf %get3A_12, %rsqrt3A : vector<1x128xf32>
    %get3A_16 = arith.constant 0 : index
    %get3A_17 = arith.constant 0 : index
    %get3A_18 = vector.load %arg4[%get3A_16, %get3A_17] : memref<1x128xf32, #tpu.memory_space<vmem>>, vector<1x128xf32>
    %mul3A_19 = arith.mulf %div3A_3, %mul3A_15 : vector<1x128xf32>
    %sub3A_20 = arith.subf %get3A_18, %mul3A_19 : vector<1x128xf32>
    %get3A_21 = arith.constant 0 : index
    %get3A_22 = arith.constant 0 : index
    %get3A_23 = vector.load %arg1[%get3A_21, %get3A_22] : memref<2000x128xbf16, #tpu.memory_space<vmem>>, vector<2000x128xbf16>
    %convert_element_type3A = arith.extf %get3A_23 : vector<2000x128xbf16> to vector<2000x128xf32>
    %mul3A_24 = vector.broadcast %mul3A_15 : vector<1x128xf32> to vector<2000x128xf32>
    %mul3A_25 = arith.mulf %convert_element_type3A, %mul3A_24 : vector<2000x128xf32>
    %add3A_26 = vector.broadcast %sub3A_20 : vector<1x128xf32> to vector<2000x128xf32>
    %add3A_27 = arith.addf %mul3A_25, %add3A_26 : vector<2000x128xf32>
    %get3A_28 = arith.constant 0 : index
    %get3A_29 = arith.constant 0 : index
    %get3A_30 = vector.load %arg5[%get3A_28, %get3A_29] : memref<128x128xf32, #tpu.memory_space<vmem>>, vector<128x128xf32>
    %dot_general3A = arith.constant dense<0.000000e+00> : vector<2000x128xf32>
    %dot_general3A_31 = tpu.matmul %add3A_27, %get3A_30, %dot_general3A {dimension_numbers = #tpu.dot_dimension_numbers<[1], [0], [0], [1], [0, 0, 1, 1], [], []>, transpose_lhs_hint = false} : vector<2000x128xf32>, vector<128x128xf32>, vector<2000x128xf32> -> vector<2000x128xf32>
    %get3A_32 = arith.constant 0 : index
    %get3A_33 = arith.constant 0 : index
    %get3A_34 = vector.load %arg6[%get3A_32, %get3A_33] : memref<1x128xf32, #tpu.memory_space<vmem>>, vector<1x128xf32>
    %add3A_35 = vector.broadcast %get3A_34 : vector<1x128xf32> to vector<2000x128xf32>
    %add3A_36 = arith.addf %dot_general3A_31, %add3A_35 : vector<2000x128xf32>
    %max3A = arith.constant 0.000000e+00 : f32
    %max3A_37 = vector.broadcast %max3A : f32 to vector<2000x128xf32>
    %max3A_38 = arith.maximumf %add3A_36, %max3A_37 : vector<2000x128xf32>
    %swap3A = arith.constant 0 : index
    %swap3A_39 = arith.constant 0 : index
    %swap3A_40 = vector.load %arg7[%swap3A, %swap3A_39] : memref<2000x128xf32, #tpu.memory_space<vmem>>, vector<2000x128xf32>
    tpu.vector_store %arg7[%swap3A, %swap3A_39], %max3A_38 {strides = array<i32>} : memref<2000x128xf32, #tpu.memory_space<vmem>>, vector<2000x128xf32>,
    return
  }
  func.func @transform_0(%arg0: i32) -> (i32, i32) {
    %c0_i32 = arith.constant 0 : i32
    %c0_i32_0 = arith.constant 0 : i32
    return %arg0, %c0_i32 : i32, i32
  }
  func.func @transform_1(%arg0: i32) -> (i32, i32) {
    %c0_i32 = arith.constant 0 : i32
    %c0_i32_0 = arith.constant 0 : i32
    %c0_i32_1 = arith.constant 0 : i32
    return %c0_i32, %c0_i32_0 : i32, i32
  }
  func.func @transform_2(%arg0: i32) -> (i32, i32) {
    %c0_i32 = arith.constant 0 : i32
    %c0_i32_0 = arith.constant 0 : i32
    %c0_i32_1 = arith.constant 0 : i32
    return %c0_i32, %c0_i32_0 : i32, i32
  }
  func.func @transform_3(%arg0: i32) -> (i32, i32) {
    %c0_i32 = arith.constant 0 : i32
    %c0_i32_0 = arith.constant 0 : i32
    %c0_i32_1 = arith.constant 0 : i32
    return %c0_i32, %c0_i32_0 : i32, i32
  }
  func.func @transform_4(%arg0: i32) -> (i32, i32) {
    %c0_i32 = arith.constant 0 : i32
    %c0_i32_0 = arith.constant 0 : i32
    %c0_i32_1 = arith.constant 0 : i32
    return %c0_i32, %c0_i32_0 : i32, i32
  }
  func.func @transform_5(%arg0: i32) -> (i32, i32) {
    %c0_i32 = arith.constant 0 : i32
    %c0_i32_0 = arith.constant 0 : i32
    %c0_i32_1 = arith.constant 0 : i32
    return %c0_i32, %c0_i32_0 : i32, i32
  }
  func.func @transform_6(%arg0: i32) -> (i32, i32) {
    %c0_i32 = arith.constant 0 : i32
    %c0_i32_0 = arith.constant 0 : i32
    return %arg0, %c0_i32 : i32, i32
  }
}

</mosaic_0001>

<sc_bundles>
// kernel: kernel.11.cloned.1.call-start
scs
__scs_entry_jumppad:
0x0: {  	(pc) =	sbr.rel $0x88, $3  }
0x1: {  	(tag) =	ssettag $0x0;
	lr =	simm.s32 $0x1  }
0x2: {  	[smem:$0x3F97] =	sst lr;
	_ =	strace $0xD0000000  }
0x3: {  	_ = 	snop  }
0x4: {  	_ = 	snop  }
0x5: {  	_ = 	snop  }
0x6: {  	_ = 	snop  }
0x7: {  	_ = 	snop  }
__scs_overlays_trampoline_lowered:
0x8: {  	[smem:$0x3FA6] =	sst s0  }
0x9: {  	[smem:$0x3FA7] =	sst s1  }
0xa: {  	[smem:$0x3FA8] =	sst s2  }
0xb: {  	[smem:$0x3FA9] =	sst s3  }
0xc: {  	[smem:$0x3FAA] =	sst s4  }
0xd: {  	[smem:$0x3FAB] =	sst s5  }
0xe: {  	[smem:$0x3FAC] =	sst s6  }
0xf: {  	[smem:$0x3FAD] =	sst s7  }
0x10: {  	[smem:$0x3FAE] =	sst s8  }
0x11: {  	[smem:$0x3FAF] =	sst s9;
	s0 =	simm.s32 @!p0 $0x0  }
0x12: {  	s1 =	sld [smem:$0x3F95];
	s0 =	simm.s32 @p0 $0x1  }
0x13: {  	[smem:$0x3FB0] =	sst s0;
	s0 =	simm.s32 @!p1 $0x0  }
0x14: {  	s2 =	sld [smem:$0x3F94];
	s0 =	simm.s32 @p1 $0x1  }
0x15: {  	[smem:$0x3FB1] =	sst s0;
	s0 =	simm.s32 @!p2 $0x0  }
0x16: {  	s3 =	sld [smem:$0x3FDB];
	s0 =	simm.s32 @p2 $0x1  }
0x17: {  	s4 =	simm.s32 $0x1BF5;
	[smem:$0x3FB3] =	sst s0  }
0x18: {  	s0 =	sld [smem:$0x3F96];
	_ =	swait.ge [sflag:s4], $0x0  }
0x19: {  	s7 =	sld [smem:$0x3F97]  }
0x1a: {  	s8 =	sadd.s32 $0xFFFFE003, lr  }
0x1b: {  	s9 =	sadd.s32 $0xFFFFFEF7, lr;
	s5 =	simm.s32 $0xFFFFFFFF;
	p2 =	slt.u32 s8, $0xFFFFF086  }
0x1c: {  	p1 =	slt.u32 s9, $0xF7A;
	s5 =	simm.s32 @!p2 $0x0  }
0x1d: {  	s5 =	simm.s32 @p1 $0x1;
	p0 =	seq.s32 s7, s2  }
0x1e: {  	s7 =	smul.u32 @!p0 $0xF7A, s2;
	p2 =	seq.s32 @!p0 s5, $0x0  }
0x1f: {  	s9 =	smul.u32 $0xF7A, s1;
	s8 =	simm.s32 @!p0 $0x1BF5;
	p2 =	por !p2, p0  }
0x20: {  	[sflag:s8] =	ssyncset.s32 @!p0 $0xFFFFF086;
	s6 =	sadd.s32 @!p0 s3, s7;
	s7 =	simm.s32 @!p0 $0x108  }
0x21: {  	s3 =	sadd.s32 s3, s9;
	s6 =	sadd.s32 @!p0 $0x88, s6;
	s7 =	simm.s32 @p2 $0x1082  }
0x22: {  	[simem:s7], [sflag:s8] =	dma.local @!p0 [hbm:s6], $0xF7A  }
0x23: {  	s9 =	sor.u32 $0xD0000000, s2;
	s6 =	simm.s32 $0x108;
	_ =	swait.ge @!p0 [sflag:s8], $0x0  }
0x24: {  	s3 =	sadd.s32 $0x88, s3;
	s6 =	simm.s32 @!p1 $0x1082;
	[sflag:s4] =	ssyncset.s32 $0xFFFFF086  }
0x25: {  	[simem:s6], [sflag:s4] =	dma.local [hbm:s3], $0xF7A  }
0x26: {  	[smem:$0x3F97] =	sst s1;
	(tag) =	ssettag s2;
	_ =	strace s9  }
0x27: {  	s1 =	sld [smem:$0x3FA7]  }
0x28: {  	s2 =	sld [smem:$0x3FA8]  }
0x29: {  	s4 =	sld [smem:$0x3FAA]  }
0x2a: {  	p0 =	seq.s32 s5, $0x0;
	s5 =	sld [smem:$0x3FAB]  }
0x2b: {  	s6 =	sld [smem:$0x3FAC]  }
0x2c: {  	s7 =	sld [smem:$0x3FAD]  }
0x2d: {  	s3 =	simm.s32 $0x108;
	s8 =	sld [smem:$0x3FAE]  }
0x2e: {  	s3 =	simm.s32 @!p0 $0x1082;
	s9 =	sld [smem:$0x3FAF]  }
0x2f: {  	lr =	sadd.s32 s0, s3;
	s0 =	sld [smem:$0x3FA6]  }
0x30: {  	s3 =	sld [smem:$0x3FA9]  }
0x31: {  	[smem:$0x3FB2] =	sst s10  }
0x32: {  	s10 =	sld [smem:$0x3FB0];
	_ =	sdelay $0x3  }
0x33: {  	p0 =	seq.s32 s10, $0x1;
	s10 =	sld [smem:$0x3FB2];
	_ =	sdelay $0x3  }
0x34: {  	[smem:$0x3FB2] =	sst s10  }
0x35: {  	s10 =	sld [smem:$0x3FB1];
	_ =	sdelay $0x3  }
0x36: {  	p1 =	seq.s32 s10, $0x1;
	s10 =	sld [smem:$0x3FB2];
	_ =	sdelay $0x3  }
0x37: {  	[smem:$0x3FB2] =	sst s10  }
0x38: {  	s10 =	sld [smem:$0x3FB3]  }
0x39: {  	_ = 	snop;
	(pc) =	sbr.ind lr, $3  }
0x3a: {  	_ = 	snop  }
0x3b: {  	_ = 	snop  }
0x3c: {  	p2 =	seq.s32 s10, $0x1;
	s10 =	sld [smem:$0x3FB2]  }
0x3d: {  	_ =	shalt  }
0x3e: {  	_ =	shalt  }
0x3f: {  	_ =	shalt  }
0x40: {  	_ =	shalt  }
0x41: {  	_ =	shalt  }
0x42: {  	_ =	shalt  }
0x43: {  	_ =	shalt  }
0x44: {  	_ =	shalt  }
0x45: {  	_ =	shalt  }
0x46: {  	_ =	shalt  }
0x47: {  	_ =	shalt  }
0x48: {  	_ =	shalt  }
0x49: {  	_ =	shalt  }
0x4a: {  	_ =	shalt  }
0x4b: {  	_ =	shalt  }
0x4c: {  	_ =	shalt  }
0x4d: {  	_ =	shalt  }
0x4e: {  	_ =	shalt  }
0x4f: {  	_ =	shalt  }
0x50: {  	_ =	shalt  }
0x51: {  	_ =	shalt  }
0x52: {  	_ =	shalt  }
0x53: {  	_ =	shalt  }
0x54: {  	_ =	shalt  }
0x55: {  	_ =	shalt  }
0x56: {  	_ =	shalt  }
0x57: {  	_ =	shalt  }
0x58: {  	_ =	shalt  }
0x59: {  	_ =	shalt  }
0x5a: {  	_ =	shalt  }
0x5b: {  	_ =	shalt  }
0x5c: {  	_ =	shalt  }
0x5d: {  	_ =	shalt  }
0x5e: {  	_ =	shalt  }
0x5f: {  	_ =	shalt  }
0x60: {  	_ =	shalt  }
0x61: {  	_ =	shalt  }
0x62: {  	_ =	shalt  }
0x63: {  	_ =	shalt  }
0x64: {  	_ =	shalt  }
0x65: {  	_ =	shalt  }
0x66: {  	_ =	shalt  }
0x67: {  	_ =	shalt  }
0x68: {  	_ =	shalt  }
0x69: {  	_ =	shalt  }
0x6a: {  	_ =	shalt  }
0x6b: {  	_ =	shalt  }
0x6c: {  	_ =	shalt  }
0x6d: {  	_ =	shalt  }
0x6e: {  	_ =	shalt  }
0x6f: {  	_ =	shalt  }
0x70: {  	_ =	shalt  }
0x71: {  	_ =	shalt  }
0x72: {  	_ =	shalt  }
0x73: {  	_ =	shalt  }
0x74: {  	_ =	shalt  }
0x75: {  	_ =	shalt  }
0x76: {  	_ =	shalt  }
0x77: {  	_ =	shalt  }
0x78: {  	_ =	shalt  }
0x79: {  	_ =	shalt  }
0x7a: {  	_ =	shalt  }
0x7b: {  	_ =	shalt  }
0x7c: {  	_ =	shalt  }
0x7d: {  	_ =	shalt  }
0x7e: {  	_ =	shalt  }
0x7f: {  	_ =	shalt  }
0x80: {  	_ =	shalt  }
0x81: {  	_ =	shalt  }
0x82: {  	_ =	shalt  }
0x83: {  	_ =	shalt  }
0x84: {  	_ =	shalt  }
0x85: {  	_ =	shalt  }
0x86: {  	_ =	shalt  }
0x87: {  	_ =	shalt  }
.Lfunc_end0:
.L_simem_size_0:
called_computation.1_lowered:
.L_overlay_start_0:
0x88: {  	s2 =	sld [smem:$0x3FD9]  }
0x89: {  	s3 =	sld [smem:$0x3FFE];
	_ =	sdelay $0x1  }
0x8a: {  	s1 =	srdreg.scid  }
0x8b: {  	s0 =	sand.u32 $0x1, s1  }
0x8c: {  	s17 =	sshll.u32 s0, $0xA;
	s2 =	sadd.s32 s3, s2  }
0x8d: {  	s2 =	sadd.s32 s2, s17  }
0x8e: {  	[smem:$0x3FBE] =	sst s2  }
0x8f: {  	_ = 	snop  }
0x90: {  	s18 =	sld [smem:$0x3FD0];
	(tm) =	ssettm $0x1  }
0x91: {  	s19 =	sld [smem:$0x3FFB];
	_ =	sdelay $0x3  }
0x92: {  	_ =	strace s19  }
0x93: {  	s2 =	sld [smem:$0x3FFC];
	_ =	sdelay $0x3  }
0x94: {  	_ =	strace s2  }
0x95: {  	s2 =	sld [smem:$0x3FFD];
	_ =	sdelay $0x3  }
0x96: {  	_ =	strace s2  }
0x97: {  	_ =	strace $0x8FFFFFFF  }
0x98: {  	s20 =	sld [smem:$0x3FDB];
	_ =	sdelay $0x1  }
0x99: {  	s4 =	simm.s32 $_scs_section_size  }
0x9a: {  	s5 =	simm.s32 $_size__tile_overlayer_lowered;
	s6 =	simm.s32 $_tile_overlayer_lowered  }
0x9b: {  	s7 =	simm.s32 $0x1BFF;
	s21 =	sshll.u32 s6, $0x1;
	s4 =	sadd.s32 s4, s20  }
0x9c: {  	s22 =	simm.s32 $0x0;
	s5 =	sshll.u32 s5, $0x1;
	s6 =	sadd.s32 s21, s4  }
0x9d: {  	[timem:s22], [sflag:s7] =	dma.local [hbm:s6], s5  }
0x9e: {  	_ =	swait.ge [sflag:s7], s5  }
0x9f: {  	s5 =	ssub.s32 $0x0, s5;
	[sflag:s7] =	ssyncset.done $0x0  }
0xa0: {  	[sflag:s7] =	ssyncadd.s32 s5;
	_ =	sdelay $0x1  }
0xa1: {  	s23 =	simm.s32 $0x1B8B  }
0xa2: {  	_ =	swait.ge [sflag:s23], $0x1  }
0xa3: {  	[sflag:s23] =	ssyncset.done $0x0  }
0xa4: {  	[sflag:s23] =	ssyncadd.s32 $0xFFFFFFFF  }
0xa5: {  	s5 =	sld [smem:$0x0]  }
0xa6: {  	s6 =	sand.u32 $0xFFFFFFFE, s1  }
0xa7: {  	p0 =	sne.s32 s1, s6  }
0xa8: {  	s6 =	sshll.u32 @p0 s6, $0xE  }
0xa9: {  	s6 =	sadd.s32 @p0 $0x11B8D, s6;
	s7 =	sshll.u32 @p0 s5, $0x11  }
0xaa: {  	s6 =	sor.u32 @p0 s7, s6  }
0xab: {  	[sflag:s6] =	ssyncadd.remote.s32 @p0 $0x1;
	_ =	sdelay $0x1  }
0xac: {  	s6 =	simm.s32 @p0 $0x1B8D  }
0xad: {  	_ =	swait.eq @p0 [sflag:s6], $0x1  }
0xae: {  	[sflag:s6] =	ssyncadd.s32 @p0 $0xFFFFFFFF  }
0xaf: {  	s7 =	sshll.u32 @!p0 s1, $0xE  }
0xb0: {  	s7 =	sor.u32 @!p0 $0x4000, s7;
	s6 =	simm.s32 @!p0 $0x1B8D  }
0xb1: {  	s5 =	sshll.u32 @!p0 s5, $0x11;
	s7 =	sadd.s32 @!p0 $0x11B8D, s7;
	_ =	swait.eq @!p0 [sflag:s6], $0x1  }
0xb2: {  	s5 =	sor.u32 @!p0 s5, s7;
	[sflag:s6] =	ssyncadd.s32 @!p0 $0xFFFFFFFF  }
0xb3: {  	s25 =	simm.s32 $0x1B8E;
	s24 =	sld [smem:$0x3FFE];
	[sflag:s5] =	ssyncadd.remote.s32 @!p0 $0x1  }
0xb4: {  	s26 =	simm.s32 $execute0_lowered;
	[smem:$0x3FD2] =	sst s25  }
0xb5: {  	s6 =	sshll.u32 s26, $0x1;
	_ =	strace $0x80000049;
	[dreg:$0x1] =	wrdreg $0xFFFFFFFF  }
0xb6: {  	s28 =	simm.s32 $_size_execute0_lowered;
	s4 =	sadd.s32 s4, s6;
	[dreg:$0x0] =	wrdreg $0x0  }
0xb7: {  	s6 =	sshll.u32 s28, $0x1;
	[dreg:$0x2] =	wrdreg s4  }
0xb8: {  	[dreg:$0x3] =	wrdreg s6  }
0xb9: {  	[dreg:$0x4] =	wrdreg $0xC0  }
0xba: {  	_ =	task [dreg:s22], $0x5FFFF  }
0xbb: {  	[dreg:$0x1] =	wrdreg $0xFFFFFFFF  }
0xbc: {  	[dreg:$0x0] =	wrdreg $0x60  }
0xbd: {  	[dreg:$0x2] =	wrdreg s24  }
0xbe: {  	[dreg:$0x3] =	wrdreg s18  }
0xbf: {  	[dreg:$0x4] =	wrdreg $0x0  }
0xc0: {  	[dreg:$0x5] =	wrdreg $0xA  }
0xc1: {  	_ =	task.clear_ibuf [dreg:s22], $0x6FFFF;
	_ =	strace $0x90000049  }
0xc2: {  	s29 =	simm.s32 $0xA;
	_ =	strace $0x8000004B  }
0xc3: {  	_ =	swait.ge [sflag:s29], $0x1  }
0xc4: {  	[sflag:s29] =	ssyncadd.s32 $0xFFFFFFFF  }
0xc5: {  	_ =	strace $0x9000004B  }
0xc6: {  	_ =	sfence  }
0xc7: {  	s30 =	sld [smem:$0x0];
	_ =	sdelay $0x2  }
0xc8: {  	s31 =	sshll.u32 s1, $0xD;
	s1 =	sshrl.u32 s1, $0x2  }
0xc9: {  	s4 =	sand.u32 $0x4000, s31;
	s1 =	sadd.s32 s1, s30  }
0xca: {  	s0 =	sor.u32 s4, s0;
	s1 =	sshll.u32 s1, $0x11  }
0xcb: {  	s0 =	sor.u32 s1, s0  }
0xcc: {  	s0 =	sadd.s32 $0x8F2B, s0  }
0xcd: {  	[sflag:s0] =	ssyncadd.remote.s32 $0x1  }
0xce: {  	_ =	sfence.sel $0xFFFF  }
0xcf: {  	[dreg:$0x0] =	wrdreg $0xFFFFFFFF;
	(pc) =	sbr.abs _section_cstart, $3  }
0xd0: {  	[dreg:$0x1] =	wrdreg $0xFFFFFFFF  }
0xd1: {  	_ =	task.clear_ibuf [dreg:s22], $0x2FFFF;
	_ =	strace $0x9FFFFFFF  }
0xd2: {  	(tm) =	ssettm $0x7FFFFFFF  }
0xd3: {  	_ =	shalt  }
tec
execute0_lowered:
.L_overlay_start_1:
0x0: {  	(tag) =	ssettag $0x1  }
0x1: {  	s0 =	rddreg [dreg:$0x0]  }
0x2: {  	s3 =	rddreg [dreg:$0x1]  }
0x3: {  	s1 =	rddreg [dreg:$0x2];
	s2 =	simm.s32 $0x0  }
0x4: {  	s6 =	srdreg.scid;
	s13 =	stileid.u32;
	s28 =	simm.s32 $0x1  }
0x5: {  	s29 =	simm.s32 $0x3;
	s30 =	simm.s32 $0x68;
	s31 =	simm.s32 $0x5  }
0x6: {  	[smem:$0x7FF] =	sst s2;
	s4 =	sadd.s32 $0xCA00, s0;
	s5 =	sadd.s32 $0x2600, s0  }
0x7: {  	s7 =	sadd.s32 $0x91E00, s0;
	s6 =	sand.u32 $0x1, s6;
	s9 =	smul.u32 $0x50000, s13  }
0x8: {  	s16 =	sshll.u32 s13, $0x1;
	s10 =	sadd.s32 $0x91600, s0;
	s11 =	smul.u32 $0x14000, s13  }
0x9: {  	s0 =	sadd.s32 $0x3EE00, s0;
	s20 =	sshll.u32 s13, $0x6;
	s21 =	smul.u32 $0x5140, s13  }
0xa: {  	_ =	strace $0x8000004A;
	[dreg:$0x4] =	wrdreg s7;
	s8 =	ssub.s32 $0x2, s6  }
0xb: {  	s7 =	sor.u32 s6, s16;
	[dreg:$0x5] =	wrdreg s10;
	s19 =	smul.u32 $0x140000, s6  }
0xc: {  	[dreg:$0x6] =	wrdreg s0;
	s6 =	smul.u32 $0x28A0, s6;
	s10 =	simm.s32 $0x0  }
0xd: {  	s17 =	sshrl.u32 s8, $0x1;
	s7 =	smul.u32 $0x28A0, s7;
	s9 =	sshrl.u32 s9, $0x2  }
0xe: {  	s18 =	ssub.s32 s8, s17;
	s12 =	sadd.s32 s9, s1;
	s9 =	sor.u32 $0x1C09, s20  }
0xf: {  	s8 =	sadd.s32 s11, s19;
	s6 =	sadd.s32 s6, s21;
	s20 =	simm.s32 $0x9  }
0x10: {  	s21 =	simm.s32 $0x14200;
	s22 =	sshrl.u32 s7, $0x3;
	s7 =	sadd.s32 $0x68, s7  }
0x11: {  	s24 =	sshrl.u32 s8, $0x3;
	s25 =	sadd.s32 $0x138, s6;
	s0 =	smax.u32 s18, $0x1  }
0x12: {  	s18 =	sadd.s32 $0xD0, s6;
	s19 =	sshrl.u32 s12, $0x3;
	s6 =	simm.s32 $0x4  }
0x13: {  	s8 =	simm.s32 $0x8;
	s14 =	sadd.s32 s4, s22;
	s13 =	sadd.s32 s5, s22  }
0x14: {  	s7 =	sshrl.u32 s7, $0x3;
	s3 =	sadd.s32 s3, s24;
	[dreg:$0xc] =	wrdreg s0  }
0x15: {  	s26 =	sshrl.u32 s25, $0x3;
	s22 =	simm.s32 $0x17600;
	s24 =	simm.s32 $0x14100  }
0x16: {  	s25 =	simm.s32 $0x14080;
	s0 =	simm.s32 $0x7;
	[dreg:$0x7] =	wrdreg s14  }
0x17: {  	[dreg:$0x8] =	wrdreg s13;
	s23 =	sadd.s32 s4, s7;
	s7 =	sadd.s32 s5, s7  }
0x18: {  	[dreg:$0xb] =	wrdreg s3;
	s16 =	sadd.s32 s26, s5;
	s17 =	sadd.s32 s26, s4  }
0x19: {  	s26 =	simm.s32 $0x14180;
	s3 =	simm.s32 $0x2;
	[dreg:$0x9] =	wrdreg s23  }
0x1a: {  	[dreg:$0xa] =	wrdreg s7;
	s23 =	simm.s32 $0x14000;
	s7 =	simm.s32 $0x6  }
.LBB2_1:
0x1b: {  	s11 =	rddreg [dreg:$0x6]  }
0x1c: {  	[spmem:s19], [sflag:s9] =	dma.local [hbm:s11], $0x2800  }
0x1d: {  	_ =	swait.ge [sflag:s20], $0x2800  }
0x1e: {  	[sflag:s20] =	ssyncset.done $0x0  }
0x1f: {  	s12 =	rddreg [dreg:$0x4];
	[sflag:s20] =	ssyncadd.s32 $0xFFFFD800  }
0x20: {  	[tilespmem:s21], [sflag:$0x9] =	stream.linear.gather [hbm4b:s12+s2], $0x3400, $0x38;
	[tilespmem:$0x1AA00] =	vst v63  }
0x21: {  	_ =	swait.ge [sflag:s20], $0x3400  }
0x22: {  	[sflag:s20] =	ssyncset.done $0x0  }
0x23: {  	s13 =	rddreg [dreg:$0x5];
	[sflag:s20] =	ssyncadd.s32 $0xFFFFCC00  }
0x24: {  	[tilespmem:s22], [sflag:$0x9] =	stream.linear.gather [hbm4b:s13+s2], $0x3400, $0x38;
	[tilespmem:$0x1AA00] =	vst v63  }
0x25: {  	_ =	swait.ge [sflag:s20], $0x3400  }
0x26: {  	[sflag:s20] =	ssyncset.done $0x0  }
0x27: {  	[sflag:s20] =	ssyncadd.s32 $0xFFFFCC00  }
0x28: {  	[bflag:$0x0] =	sbarrier.arrive $0xFFFF  }
0x29: {  	s14 =	rddreg [dreg:$0x7]  }
0x2a: {  	[tilespmem:s23], [sflag:$0x1] =	stream.linear.gather [hbm4b:s14+s2], $0x68, $0x38;
	[tilespmem:$0x1AA00] =	vst v63  }
0x2b: {  	s15 =	rddreg [dreg:$0x8]  }
0x2c: {  	[tilespmem:s24], [sflag:$0x3] =	stream.linear.gather [hbm4b:s15+s2], $0x68, $0x38;
	[tilespmem:$0x1AA00] =	vst v63  }
0x2d: {  	s12 =	rddreg [dreg:$0x9]  }
0x2e: {  	[tilespmem:s25], [sflag:$0x2] =	stream.linear.gather [hbm4b:s12+s2], $0x68, $0x38;
	[tilespmem:$0x1AA00] =	vst v63  }
0x2f: {  	s13 =	rddreg [dreg:$0xa]  }
0x30: {  	[tilespmem:s26], [sflag:$0x4] =	stream.linear.gather [hbm4b:s13+s2], $0x68, $0x38;
	[tilespmem:$0x1AA00] =	vst v63  }
0x31: {  	_ =	swait.ge [sflag:s28], $0x68  }
0x32: {  	[sflag:s28] =	ssyncset.done $0x0  }
0x33: {  	[sflag:s28] =	ssyncadd.s32 $0xFFFFFF98  }
0x34: {  	_ =	swait.ge [sflag:s29], $0x68  }
0x35: {  	[sflag:s29] =	ssyncset.done $0x0  }
0x36: {  	[sflag:s29] =	ssyncadd.s32 $0xFFFFFF98  }
0x37: {  	[spmem:s1] =	stream.indirect.scatter.add.f32 [tilespmem:s21], [sflag:$0x5], $0x80, s23, s30, $0xb8;
	[tilespmem:$0x1AA00] =	vst v63  }
0x38: {  	_ = 	snop  }
0x39: {  	[spmem:s1] =	stream.indirect.scatter.add.f32 [tilespmem:s22], [sflag:$0x7], $0x80, s24, s30, $0xb8;
	[tilespmem:$0x1AA00] =	vst v63  }
0x3a: {  	_ =	swait.ge [sflag:s31], $0x3400  }
0x3b: {  	[sflag:s31] =	ssyncset.done $0x0  }
0x3c: {  	[sflag:s31] =	ssyncadd.s32 $0xFFFFCC00  }
0x3d: {  	_ =	swait.ge [sflag:s0], $0x3400  }
0x3e: {  	s14 =	sshrl.u32 s18, $0x3;
	[sflag:s0] =	ssyncset.done $0x0  }
0x3f: {  	s12 =	sadd.s32 s4, s14;
	[sflag:s0] =	ssyncadd.s32 $0xFFFFCC00  }
0x40: {  	[tilespmem:s23], [sflag:$0x1] =	stream.linear.gather [hbm4b:s12+s2], $0x68, $0x38;
	[tilespmem:$0x1AA00] =	vst v63  }
0x41: {  	s11 =	sadd.s32 s5, s14  }
0x42: {  	[tilespmem:s24], [sflag:$0x3] =	stream.linear.gather [hbm4b:s11+s2], $0x68, $0x38;
	[tilespmem:$0x1AA00] =	vst v63  }
0x43: {  	_ =	swait.ge [sflag:s3], $0x68  }
0x44: {  	[sflag:s3] =	ssyncset.done $0x0  }
0x45: {  	[sflag:s3] =	ssyncadd.s32 $0xFFFFFF98  }
0x46: {  	_ =	swait.ge [sflag:s6], $0x68  }
0x47: {  	[sflag:s6] =	ssyncset.done $0x0  }
0x48: {  	[sflag:s6] =	ssyncadd.s32 $0xFFFFFF98  }
0x49: {  	[spmem:s1] =	stream.indirect.scatter.add.f32 [tilespmem:s21], [sflag:$0x6], $0x80, s25, s30, $0xb8;
	[tilespmem:$0x1AA00] =	vst v63  }
0x4a: {  	_ = 	snop  }
0x4b: {  	[spmem:s1] =	stream.indirect.scatter.add.f32 [tilespmem:s22], [sflag:$0x8], $0x80, s26, s30, $0xb8;
	[tilespmem:$0x1AA00] =	vst v63  }
0x4c: {  	_ =	swait.ge [sflag:s7], $0x3400  }
0x4d: {  	[sflag:s7] =	ssyncset.done $0x0  }
0x4e: {  	[sflag:s7] =	ssyncadd.s32 $0xFFFFCC00  }
0x4f: {  	_ =	swait.ge [sflag:s8], $0x3400  }
0x50: {  	s15 =	sadd.s32 $0x0, s17;
	s13 =	sadd.s32 $0x0, s16;
	[sflag:s8] =	ssyncset.done $0x0  }
0x51: {  	s12 =	sadd.s32 $0xD0, s18;
	s11 =	simm.s32 $0x1A;
	[sflag:s8] =	ssyncadd.s32 $0xFFFFCC00  }
0x52: {  	[tilespmem:s25], [sflag:$0x2] =	stream.linear.gather [hbm4b:s15+s2], $0x68, $0x38;
	[tilespmem:$0x1AA00] =	vst v63  }
.LBB2_2:
0x53: {  	[tilespmem:s26], [sflag:$0x4] =	stream.linear.gather [hbm4b:s13+s2], $0x68, $0x38;
	[tilespmem:$0x1AA00] =	vst v63  }
0x54: {  	s13 =	smov.u32 s11  }
0x55: {  	p0 =	sne.s32 s11, $0x4E0;
	s11 =	sadd.s32 $0x1A, s11;
	_ =	swait.ge [sflag:s28], $0x68  }
0x56: {  	[sflag:s28] =	ssyncset.done $0x0  }
0x57: {  	[sflag:s28] =	ssyncadd.s32 $0xFFFFFF98  }
0x58: {  	_ =	swait.ge [sflag:s29], $0x68  }
0x59: {  	[sflag:s29] =	ssyncset.done $0x0  }
0x5a: {  	[sflag:s29] =	ssyncadd.s32 $0xFFFFFF98  }
0x5b: {  	[spmem:s1] =	stream.indirect.scatter.add.f32 [tilespmem:s21], [sflag:$0x5], $0x80, s23, s30, $0xb8;
	[tilespmem:$0x1AA00] =	vst v63  }
0x5c: {  	_ = 	snop  }
0x5d: {  	[spmem:s1] =	stream.indirect.scatter.add.f32 [tilespmem:s22], [sflag:$0x7], $0x80, s24, s30, $0xb8;
	[tilespmem:$0x1AA00] =	vst v63  }
0x5e: {  	_ =	swait.ge [sflag:s31], $0x3400  }
0x5f: {  	[sflag:s31] =	ssyncset.done $0x0  }
0x60: {  	[sflag:s31] =	ssyncadd.s32 $0xFFFFCC00  }
0x61: {  	_ =	swait.ge [sflag:s0], $0x3400  }
0x62: {  	s14 =	sshrl.u32 s12, $0x3;
	[sflag:s0] =	ssyncset.done $0x0  }
0x63: {  	s15 =	sadd.s32 s4, s14;
	[sflag:s0] =	ssyncadd.s32 $0xFFFFCC00  }
0x64: {  	[tilespmem:s23], [sflag:$0x1] =	stream.linear.gather [hbm4b:s15+s2], $0x68, $0x38;
	[tilespmem:$0x1AA00] =	vst v63  }
0x65: {  	s14 =	sadd.s32 s5, s14  }
0x66: {  	[tilespmem:s24], [sflag:$0x3] =	stream.linear.gather [hbm4b:s14+s2], $0x68, $0x38;
	[tilespmem:$0x1AA00] =	vst v63  }
0x67: {  	_ =	swait.ge [sflag:s3], $0x68  }
0x68: {  	[sflag:s3] =	ssyncset.done $0x0  }
0x69: {  	[sflag:s3] =	ssyncadd.s32 $0xFFFFFF98  }
0x6a: {  	_ =	swait.ge [sflag:s6], $0x68  }
0x6b: {  	[sflag:s6] =	ssyncset.done $0x0  }
0x6c: {  	[sflag:s6] =	ssyncadd.s32 $0xFFFFFF98  }
0x6d: {  	[spmem:s1] =	stream.indirect.scatter.add.f32 [tilespmem:s21], [sflag:$0x6], $0x80, s25, s30, $0xb8;
	[tilespmem:$0x1AA00] =	vst v63  }
0x6e: {  	_ = 	snop  }
0x6f: {  	[spmem:s1] =	stream.indirect.scatter.add.f32 [tilespmem:s22], [sflag:$0x8], $0x80, s26, s30, $0xb8;
	[tilespmem:$0x1AA00] =	vst v63  }
0x70: {  	_ =	swait.ge [sflag:s7], $0x3400  }
0x71: {  	[sflag:s7] =	ssyncset.done $0x0  }
0x72: {  	[sflag:s7] =	ssyncadd.s32 $0xFFFFCC00  }
.Ltmp0:
0x73: {  	_ =	swait.ge [sflag:s8], $0x3400;
	(pc) =	sbr.rel @p0 .LBB2_2-.Ltmp0, $4  }
0x74: {  	[sflag:s8] =	ssyncset.done $0x0  }
0x75: {  	s14 =	sadd.s32 s13, s17;
	[sflag:s8] =	ssyncadd.s32 $0xFFFFCC00  }
0x76: {  	[tilespmem:s25], [sflag:$0x2] =	stream.linear.gather [hbm4b:s14+s2], $0x68, $0x38;
	[tilespmem:$0x1AA00] =	vst v63  }
0x77: {  	s12 =	sadd.s32 $0xD0, s12;
	s13 =	sadd.s32 s13, s16  }
0x78: {  	[tilespmem:s26], [sflag:$0x4] =	stream.linear.gather [hbm4b:s13+s2], $0x68, $0x38;
	[tilespmem:$0x1AA00] =	vst v63  }
0x79: {  	_ =	swait.ge [sflag:s28], $0x68  }
0x7a: {  	[sflag:s28] =	ssyncset.done $0x0  }
0x7b: {  	[sflag:s28] =	ssyncadd.s32 $0xFFFFFF98  }
0x7c: {  	_ =	swait.ge [sflag:s29], $0x68  }
0x7d: {  	[sflag:s29] =	ssyncset.done $0x0  }
0x7e: {  	[sflag:s29] =	ssyncadd.s32 $0xFFFFFF98  }
0x7f: {  	[spmem:s1] =	stream.indirect.scatter.add.f32 [tilespmem:s21], [sflag:$0x5], $0x80, s23, s30, $0xb8;
	[tilespmem:$0x1AA00] =	vst v63  }
0x80: {  	_ = 	snop  }
0x81: {  	[spmem:s1] =	stream.indirect.scatter.add.f32 [tilespmem:s22], [sflag:$0x7], $0x80, s24, s30, $0xb8;
	[tilespmem:$0x1AA00] =	vst v63  }
0x82: {  	_ =	swait.ge [sflag:s31], $0x3400  }
0x83: {  	[sflag:s31] =	ssyncset.done $0x0  }
0x84: {  	[sflag:s31] =	ssyncadd.s32 $0xFFFFCC00  }
0x85: {  	_ =	swait.ge [sflag:s0], $0x3400  }
0x86: {  	[sflag:s0] =	ssyncset.done $0x0  }
0x87: {  	[sflag:s0] =	ssyncadd.s32 $0xFFFFCC00  }
0x88: {  	_ =	swait.ge [sflag:s3], $0x68  }
0x89: {  	[sflag:s3] =	ssyncset.done $0x0  }
0x8a: {  	[sflag:s3] =	ssyncadd.s32 $0xFFFFFF98  }
0x8b: {  	_ =	swait.ge [sflag:s6], $0x68  }
0x8c: {  	[sflag:s6] =	ssyncset.done $0x0  }
0x8d: {  	[sflag:s6] =	ssyncadd.s32 $0xFFFFFF98  }
0x8e: {  	[spmem:s1] =	stream.indirect.scatter.add.f32 [tilespmem:s21], [sflag:$0x6], $0x80, s25, s30, $0xb8;
	[tilespmem:$0x1AA00] =	vst v63  }
0x8f: {  	_ = 	snop  }
0x90: {  	[spmem:s1] =	stream.indirect.scatter.add.f32 [tilespmem:s22], [sflag:$0x8], $0x80, s26, s30, $0xb8;
	[tilespmem:$0x1AA00] =	vst v63  }
0x91: {  	_ =	swait.ge [sflag:s7], $0x3400  }
0x92: {  	[sflag:s7] =	ssyncset.done $0x0  }
0x93: {  	[sflag:s7] =	ssyncadd.s32 $0xFFFFCC00  }
0x94: {  	_ =	swait.ge [sflag:s8], $0x3400  }
0x95: {  	[sflag:s8] =	ssyncset.done $0x0  }
0x96: {  	[sflag:s8] =	ssyncadd.s32 $0xFFFFCC00  }
0x97: {  	[bflag:$0x0] =	sbarrier.arrive $0xFFFF  }
0x98: {  	s11 =	rddreg [dreg:$0xb]  }
0x99: {  	[hbm:s11], [sflag:s9] =	dma.local [spmem:s19], $0x2800  }
0x9a: {  	_ =	swait.ge [sflag:s20], $0x2800  }
0x9b: {  	s10 =	sadd.s32 $0x1, s10;
	s15 =	rddreg [dreg:$0xc]  }
0x9c: {  	p0 =	sne.s32 s10, s15  }
.Ltmp1:
0x9d: {  	_ = 	snop;
	(pc) =	sbr.rel @p0 .LBB2_1-.Ltmp1, $3  }
0x9e: {  	_ =	sdelay $0x1  }
0x9f: {  	[sflag:s20] =	ssyncset.done $0x0  }
0xa0: {  	[sflag:s20] =	ssyncadd.s32 $0xFFFFD800  }
0xa1: {  	_ =	sfence.sel $0x180000  }
0xa2: {  	[bflag:$0x0] =	sbarrier.arrive $0xFFFF  }
0xa3: {  	_ =	strace $0x9000004A  }
0xa4: {  	s0 =	stileid.u32;
	[bflag:$0x2] =	sbarrier.arrive $0xFFFF  }
0xa5: {  	p0 =	sne.s32 s0, $0x0;
	s0 =	rddreg [dreg:$0x3]  }
0xa6: {  	s0 =	sadd.s32 @!p0 $0x100000, s0  }
0xa7: {  	[sflag:s0] =	ssyncadd.tile.s32 @!p0 $0x1;
	_ =	shalt  }
.Lfunc_end2:
_tile_overlayer_lowered:
.L_overlay_start_2:
0xa8: {  	(tag) =	ssettag $0x2  }
0xa9: {  	s0 =	rddreg [dreg:$0x0];
	s2 =	stileid.u32  }
0xaa: {  	s1 =	rddreg [dreg:$0x1];
	p0 =	sne.s32 s2, $0x0  }
0xab: {  	s3 =	rddreg [dreg:$0x2];
	[bflag:$0x3] =	sbarrier.arrive $0xFFFF;
	s2 =	simm.s32 @!p0 $0x1C09  }
0xac: {  	[timem:s3], [sflag:s2] =	dma.local @!p0 [hbm:s0], s1  }
0xad: {  	s0 =	simm.s32 @!p0 $0x9  }
0xae: {  	_ =	swait.ge @!p0 [sflag:s0], s1  }
0xaf: {  	s1 =	ssub.s32 @!p0 $0x0, s1;
	[sflag:s0] =	ssyncset.done @!p0 $0x0  }
0xb0: {  	[sflag:s0] =	ssyncadd.s32 @!p0 s1  }
0xb1: {  	[bflag:$0x3] =	sbarrier.arrive $0xFFFF  }
0xb2: {  	_ =	shalt  }

// kernel: kernel.14.cloned.1.call-start
scs
__scs_entry_jumppad:
0x0: {  	(pc) =	sbr.rel $0x88, $3  }
0x1: {  	(tag) =	ssettag $0x0;
	lr =	simm.s32 $0x1  }
0x2: {  	[smem:$0x3F97] =	sst lr;
	_ =	strace $0xD0000000  }
0x3: {  	_ = 	snop  }
0x4: {  	_ = 	snop  }
0x5: {  	_ = 	snop  }
0x6: {  	_ = 	snop  }
0x7: {  	_ = 	snop  }
__scs_overlays_trampoline_lowered:
0x8: {  	[smem:$0x3FA6] =	sst s0  }
0x9: {  	[smem:$0x3FA7] =	sst s1  }
0xa: {  	[smem:$0x3FA8] =	sst s2  }
0xb: {  	[smem:$0x3FA9] =	sst s3  }
0xc: {  	[smem:$0x3FAA] =	sst s4  }
0xd: {  	[smem:$0x3FAB] =	sst s5  }
0xe: {  	[smem:$0x3FAC] =	sst s6  }
0xf: {  	[smem:$0x3FAD] =	sst s7  }
0x10: {  	[smem:$0x3FAE] =	sst s8  }
0x11: {  	[smem:$0x3FAF] =	sst s9;
	s0 =	simm.s32 @!p0 $0x0  }
0x12: {  	s1 =	sld [smem:$0x3F95];
	s0 =	simm.s32 @p0 $0x1  }
0x13: {  	[smem:$0x3FB0] =	sst s0;
	s0 =	simm.s32 @!p1 $0x0  }
0x14: {  	s2 =	sld [smem:$0x3F94];
	s0 =	simm.s32 @p1 $0x1  }
0x15: {  	[smem:$0x3FB1] =	sst s0;
	s0 =	simm.s32 @!p2 $0x0  }
0x16: {  	s3 =	sld [smem:$0x3FDB];
	s0 =	simm.s32 @p2 $0x1  }
0x17: {  	s4 =	simm.s32 $0x1BF5;
	[smem:$0x3FB3] =	sst s0  }
0x18: {  	s0 =	sld [smem:$0x3F96];
	_ =	swait.ge [sflag:s4], $0x0  }
0x19: {  	s7 =	sld [smem:$0x3F97]  }
0x1a: {  	s8 =	sadd.s32 $0xFFFFE003, lr  }
0x1b: {  	s9 =	sadd.s32 $0xFFFFFEF7, lr;
	s5 =	simm.s32 $0xFFFFFFFF;
	p2 =	slt.u32 s8, $0xFFFFF086  }
0x1c: {  	p1 =	slt.u32 s9, $0xF7A;
	s5 =	simm.s32 @!p2 $0x0  }
0x1d: {  	s5 =	simm.s32 @p1 $0x1;
	p0 =	seq.s32 s7, s2  }
0x1e: {  	s7 =	smul.u32 @!p0 $0xF7A, s2;
	p2 =	seq.s32 @!p0 s5, $0x0  }
0x1f: {  	s9 =	smul.u32 $0xF7A, s1;
	s8 =	simm.s32 @!p0 $0x1BF5;
	p2 =	por !p2, p0  }
0x20: {  	[sflag:s8] =	ssyncset.s32 @!p0 $0xFFFFF086;
	s6 =	sadd.s32 @!p0 s3, s7;
	s7 =	simm.s32 @!p0 $0x108  }
0x21: {  	s3 =	sadd.s32 s3, s9;
	s6 =	sadd.s32 @!p0 $0x88, s6;
	s7 =	simm.s32 @p2 $0x1082  }
0x22: {  	[simem:s7], [sflag:s8] =	dma.local @!p0 [hbm:s6], $0xF7A  }
0x23: {  	s9 =	sor.u32 $0xD0000000, s2;
	s6 =	simm.s32 $0x108;
	_ =	swait.ge @!p0 [sflag:s8], $0x0  }
0x24: {  	s3 =	sadd.s32 $0x88, s3;
	s6 =	simm.s32 @!p1 $0x1082;
	[sflag:s4] =	ssyncset.s32 $0xFFFFF086  }
0x25: {  	[simem:s6], [sflag:s4] =	dma.local [hbm:s3], $0xF7A  }
0x26: {  	[smem:$0x3F97] =	sst s1;
	(tag) =	ssettag s2;
	_ =	strace s9  }
0x27: {  	s1 =	sld [smem:$0x3FA7]  }
0x28: {  	s2 =	sld [smem:$0x3FA8]  }
0x29: {  	s4 =	sld [smem:$0x3FAA]  }
0x2a: {  	p0 =	seq.s32 s5, $0x0;
	s5 =	sld [smem:$0x3FAB]  }
0x2b: {  	s6 =	sld [smem:$0x3FAC]  }
0x2c: {  	s7 =	sld [smem:$0x3FAD]  }
0x2d: {  	s3 =	simm.s32 $0x108;
	s8 =	sld [smem:$0x3FAE]  }
0x2e: {  	s3 =	simm.s32 @!p0 $0x1082;
	s9 =	sld [smem:$0x3FAF]  }
0x2f: {  	lr =	sadd.s32 s0, s3;
	s0 =	sld [smem:$0x3FA6]  }
0x30: {  	s3 =	sld [smem:$0x3FA9]  }
0x31: {  	[smem:$0x3FB2] =	sst s10  }
0x32: {  	s10 =	sld [smem:$0x3FB0];
	_ =	sdelay $0x3  }
0x33: {  	p0 =	seq.s32 s10, $0x1;
	s10 =	sld [smem:$0x3FB2];
	_ =	sdelay $0x3  }
0x34: {  	[smem:$0x3FB2] =	sst s10  }
0x35: {  	s10 =	sld [smem:$0x3FB1];
	_ =	sdelay $0x3  }
0x36: {  	p1 =	seq.s32 s10, $0x1;
	s10 =	sld [smem:$0x3FB2];
	_ =	sdelay $0x3  }
0x37: {  	[smem:$0x3FB2] =	sst s10  }
0x38: {  	s10 =	sld [smem:$0x3FB3]  }
0x39: {  	_ = 	snop;
	(pc) =	sbr.ind lr, $3  }
0x3a: {  	_ = 	snop  }
0x3b: {  	_ = 	snop  }
0x3c: {  	p2 =	seq.s32 s10, $0x1;
	s10 =	sld [smem:$0x3FB2]  }
0x3d: {  	_ =	shalt  }
0x3e: {  	_ =	shalt  }
0x3f: {  	_ =	shalt  }
0x40: {  	_ =	shalt  }
0x41: {  	_ =	shalt  }
0x42: {  	_ =	shalt  }
0x43: {  	_ =	shalt  }
0x44: {  	_ =	shalt  }
0x45: {  	_ =	shalt  }
0x46: {  	_ =	shalt  }
0x47: {  	_ =	shalt  }
0x48: {  	_ =	shalt  }
0x49: {  	_ =	shalt  }
0x4a: {  	_ =	shalt  }
0x4b: {  	_ =	shalt  }
0x4c: {  	_ =	shalt  }
0x4d: {  	_ =	shalt  }
0x4e: {  	_ =	shalt  }
0x4f: {  	_ =	shalt  }
0x50: {  	_ =	shalt  }
0x51: {  	_ =	shalt  }
0x52: {  	_ =	shalt  }
0x53: {  	_ =	shalt  }
0x54: {  	_ =	shalt  }
0x55: {  	_ =	shalt  }
0x56: {  	_ =	shalt  }
0x57: {  	_ =	shalt  }
0x58: {  	_ =	shalt  }
0x59: {  	_ =	shalt  }
0x5a: {  	_ =	shalt  }
0x5b: {  	_ =	shalt  }
0x5c: {  	_ =	shalt  }
0x5d: {  	_ =	shalt  }
0x5e: {  	_ =	shalt  }
0x5f: {  	_ =	shalt  }
0x60: {  	_ =	shalt  }
0x61: {  	_ =	shalt  }
0x62: {  	_ =	shalt  }
0x63: {  	_ =	shalt  }
0x64: {  	_ =	shalt  }
0x65: {  	_ =	shalt  }
0x66: {  	_ =	shalt  }
0x67: {  	_ =	shalt  }
0x68: {  	_ =	shalt  }
0x69: {  	_ =	shalt  }
0x6a: {  	_ =	shalt  }
0x6b: {  	_ =	shalt  }
0x6c: {  	_ =	shalt  }
0x6d: {  	_ =	shalt  }
0x6e: {  	_ =	shalt  }
0x6f: {  	_ =	shalt  }
0x70: {  	_ =	shalt  }
0x71: {  	_ =	shalt  }
0x72: {  	_ =	shalt  }
0x73: {  	_ =	shalt  }
0x74: {  	_ =	shalt  }
0x75: {  	_ =	shalt  }
0x76: {  	_ =	shalt  }
0x77: {  	_ =	shalt  }
0x78: {  	_ =	shalt  }
0x79: {  	_ =	shalt  }
0x7a: {  	_ =	shalt  }
0x7b: {  	_ =	shalt  }
0x7c: {  	_ =	shalt  }
0x7d: {  	_ =	shalt  }
0x7e: {  	_ =	shalt  }
0x7f: {  	_ =	shalt  }
0x80: {  	_ =	shalt  }
0x81: {  	_ =	shalt  }
0x82: {  	_ =	shalt  }
0x83: {  	_ =	shalt  }
0x84: {  	_ =	shalt  }
0x85: {  	_ =	shalt  }
0x86: {  	_ =	shalt  }
0x87: {  	_ =	shalt  }
.Lfunc_end0:
.L_simem_size_0:
called_computation.2_lowered:
.L_overlay_start_0:
0x88: {  	s2 =	sld [smem:$0x3FD9]  }
0x89: {  	s3 =	sld [smem:$0x3FFE];
	_ =	sdelay $0x1  }
0x8a: {  	s1 =	srdreg.scid  }
0x8b: {  	s0 =	sand.u32 $0x1, s1  }
0x8c: {  	s17 =	sshll.u32 s0, $0xA;
	s2 =	sadd.s32 s3, s2  }
0x8d: {  	s2 =	sadd.s32 s2, s17  }
0x8e: {  	[smem:$0x3FBE] =	sst s2  }
0x8f: {  	_ = 	snop  }
0x90: {  	s2 =	sld [smem:$0x3FD0];
	(tm) =	ssettm $0x1  }
0x91: {  	s18 =	sld [smem:$0x3FFB];
	_ =	sdelay $0x3  }
0x92: {  	_ =	strace s18  }
0x93: {  	s3 =	sld [smem:$0x3FFC];
	_ =	sdelay $0x3  }
0x94: {  	_ =	strace s3  }
0x95: {  	s3 =	sld [smem:$0x3FFD];
	_ =	sdelay $0x3  }
0x96: {  	_ =	strace s3  }
0x97: {  	_ =	strace $0x8FFFFFFF  }
0x98: {  	s19 =	sld [smem:$0x3FDB];
	_ =	sdelay $0x1  }
0x99: {  	s4 =	simm.s32 $_scs_section_size  }
0x9a: {  	s5 =	simm.s32 $_size__tile_overlayer_lowered;
	s6 =	simm.s32 $_tile_overlayer_lowered  }
0x9b: {  	s22 =	simm.s32 $0x1BFF;
	s21 =	sshll.u32 s6, $0x1;
	s3 =	sadd.s32 s4, s19  }
0x9c: {  	s7 =	simm.s32 $0x0;
	s20 =	sshll.u32 s5, $0x1;
	s5 =	sadd.s32 s21, s3  }
0x9d: {  	[timem:s7], [sflag:s22] =	dma.local [hbm:s5], s20  }
0x9e: {  	_ =	swait.ge [sflag:s22], s20  }
0x9f: {  	s4 =	ssub.s32 $0x0, s20;
	[sflag:s22] =	ssyncset.done $0x0  }
0xa0: {  	[sflag:s22] =	ssyncadd.s32 s4;
	_ =	sdelay $0x1  }
0xa1: {  	s23 =	simm.s32 $0x1B8B  }
0xa2: {  	_ =	swait.ge [sflag:s23], $0x1  }
0xa3: {  	[sflag:s23] =	ssyncset.done $0x0  }
0xa4: {  	s25 =	simm.s32 $0x1B8E;
	s24 =	sld [smem:$0x3FFE];
	[sflag:s23] =	ssyncadd.s32 $0xFFFFFFFF  }
0xa5: {  	s26 =	simm.s32 $execute0_lowered;
	[smem:$0x3FD2] =	sst s25  }
0xa6: {  	s5 =	sshll.u32 s26, $0x1;
	_ =	strace $0x8000004C;
	[dreg:$0x1] =	wrdreg $0xFFFFFFFF  }
0xa7: {  	s28 =	simm.s32 $_size_execute0_lowered;
	s3 =	sadd.s32 s3, s5;
	[dreg:$0x0] =	wrdreg $0x0  }
0xa8: {  	s5 =	sshll.u32 s28, $0x1;
	[dreg:$0x2] =	wrdreg s3  }
0xa9: {  	[dreg:$0x3] =	wrdreg s5  }
0xaa: {  	[dreg:$0x4] =	wrdreg $0xC0  }
0xab: {  	_ =	task [dreg:s7], $0x5FFFF  }
0xac: {  	[dreg:$0x1] =	wrdreg $0xFFFFFFFF  }
0xad: {  	[dreg:$0x0] =	wrdreg $0x60  }
0xae: {  	[dreg:$0x2] =	wrdreg s2  }
0xaf: {  	[dreg:$0x3] =	wrdreg s24  }
0xb0: {  	[dreg:$0x4] =	wrdreg $0x9  }
0xb1: {  	_ =	task.clear_ibuf [dreg:s7], $0x5FFFF;
	_ =	strace $0x9000004C  }
0xb2: {  	s29 =	simm.s32 $0x9;
	_ =	strace $0x8000004E  }
0xb3: {  	_ =	swait.ge [sflag:s29], $0x1  }
0xb4: {  	[sflag:s29] =	ssyncadd.s32 $0xFFFFFFFF  }
0xb5: {  	_ =	strace $0x9000004E  }
0xb6: {  	_ =	sfence  }
0xb7: {  	s30 =	sld [smem:$0x0];
	_ =	sdelay $0x2  }
0xb8: {  	s31 =	sshll.u32 s1, $0xD;
	s1 =	sshrl.u32 s1, $0x2  }
0xb9: {  	s3 =	sand.u32 $0x4000, s31;
	s1 =	sadd.s32 s1, s30  }
0xba: {  	s0 =	sor.u32 s3, s0;
	s1 =	sshll.u32 s1, $0x11  }
0xbb: {  	s0 =	sor.u32 s1, s0  }
0xbc: {  	s0 =	sadd.s32 $0x8F2B, s0  }
0xbd: {  	[sflag:s0] =	ssyncadd.remote.s32 $0x1  }
0xbe: {  	_ =	sfence.sel $0xFFFF  }
0xbf: {  	[dreg:$0x0] =	wrdreg $0xFFFFFFFF;
	(pc) =	sbr.abs _section_cstart, $3  }
0xc0: {  	[dreg:$0x1] =	wrdreg $0xFFFFFFFF  }
0xc1: {  	_ =	task.clear_ibuf [dreg:s7], $0x2FFFF;
	_ =	strace $0x9FFFFFFF  }
0xc2: {  	(tm) =	ssettm $0x7FFFFFFF  }
0xc3: {  	_ =	shalt  }
tec
execute0_lowered:
.L_overlay_start_1:
0x0: {  	(tag) =	ssettag $0x1  }
0x1: {  	s1 =	rddreg [dreg:$0x0]  }
0x2: {  	s0 =	rddreg [dreg:$0x1]  }
0x3: {  	s2 =	simm.s32 $0x0;
	s3 =	stileid.u32;
	s5 =	srdreg.scid  }
0x4: {  	s15 =	simm.s32 $0x190;
	s16 =	simm.s32 $0x6B00;
	s17 =	simm.s32 $0x13300  }
0x5: {  	s18 =	simm.s32 $0x1;
	s19 =	simm.s32 $0x3;
	s20 =	simm.s32 $0x2  }
0x6: {  	s21 =	simm.s32 $0x4;
	s22 =	simm.s32 $0x5;
	s23 =	simm.s32 $0x6  }
0x7: {  	s24 =	simm.s32 $0x0;
	[smem:$0x7FF] =	sst s2;
	s4 =	sadd.s32 $0x16E00, s0  }
0x8: {  	s8 =	sadd.s32 $0xCA00, s0;
	s9 =	sadd.s32 $0x2600, s0;
	s6 =	smul.u32 $0x51400, s3  }
0x9: {  	s13 =	sand.u32 $0x1, s5;
	s10 =	smul.u32 $0x5140, s3;
	_ =	strace $0x8000004D  }
0xa: {  	s5 =	ssub.s32 $0x0, s13;
	s7 =	ssub.s32 $0x2, s13;
	p0 =	seq.s32 s13, $0x0  }
0xb: {  	s0 =	sadd.s32 s6, s0;
	s31 =	sshrl.u32 s7, $0x1;
	s11 =	sand.u32 $0x3520, s5  }
0xc: {  	s5 =	simm.s32 $0x22;
	s10 =	sadd.s32 s10, s11;
	s12 =	ssub.s32 s7, s31  }
0xd: {  	s5 =	simm.s32 @!p0 $0x12;
	s11 =	sshll.u32 s11, $0x4;
	p0 =	sne.s32 s13, $0x0  }
0xe: {  	s13 =	simm.s32 $0x7;
	s10 =	sshrl.u32 s10, $0x3;
	s14 =	sshrl.u32 s5, $0x1  }
0xf: {  	s6 =	sadd.s32 s8, s10;
	s7 =	sadd.s32 s9, s10;
	s10 =	sadd.s32 $0x384, s10  }
0x10: {  	s0 =	sadd.s32 s11, s0;
	s11 =	smul.u32 $0xC80, s14;
	s8 =	sadd.s32 s8, s10  }
0x11: {  	s9 =	sadd.s32 s9, s10;
	s10 =	smax.u32 s12, $0x1;
	s12 =	sadd.s32 $0x40700, s0  }
.LBB2_1:
0x12: {  	[tilespmem:s2], [sflag:$0x7] =	stream.linear.gather [hbm4b:s6+s2], $0x1C20, $0x38;
	[tilespmem:$0x1FB00] =	vst v63  }
0x13: {  	_ =	swait.ge [sflag:s13], $0x1C20  }
0x14: {  	[sflag:s13] =	ssyncset.done $0x0  }
0x15: {  	s0 =	simm.s32 $0x3580;
	[sflag:s13] =	ssyncadd.s32 $0xFFFFE3E0  }
0x16: {  	[tilespmem:s0], [sflag:$0x7] =	stream.linear.gather [hbm4b:s7+s2], $0x1C20, $0x38;
	[tilespmem:$0x1FB00] =	vst v63  }
0x17: {  	_ =	swait.ge [sflag:s13], $0x1C20  }
0x18: {  	[sflag:s13] =	ssyncset.done $0x0  }
0x19: {  	s25 =	simm.s32 @!p0 $0x1C20;
	s0 =	simm.s32 @!p0 $0x0;
	[sflag:s13] =	ssyncadd.s32 $0xFFFFE3E0  }
0x1a: {  	[tilespmem:s25], [sflag:$0x7] =	stream.linear.gather @!p0 [hbm4b:s8+s0], $0x1900, $0x38;
	[tilespmem:$0x1FB00] =	vst v63  }
0x1b: {  	s25 =	simm.s32 @!p0 $0x7  }
0x1c: {  	_ =	swait.ge @!p0 [sflag:s25], $0x1900  }
0x1d: {  	[sflag:s25] =	ssyncset.done @!p0 $0x0  }
0x1e: {  	s26 =	simm.s32 @!p0 $0x51A0;
	[sflag:s25] =	ssyncadd.s32 @!p0 $0xFFFFE700  }
0x1f: {  	[tilespmem:s26], [sflag:$0x7] =	stream.linear.gather @!p0 [hbm4b:s9+s0], $0x1900, $0x38;
	[tilespmem:$0x1FB00] =	vst v63  }
0x20: {  	_ =	swait.ge @!p0 [sflag:s25], $0x1900  }
0x21: {  	[sflag:s25] =	ssyncset.done @!p0 $0x0  }
0x22: {  	[sflag:s25] =	ssyncadd.s32 @!p0 $0xFFFFE700  }
0x23: {  	[tilespmem:s16], [sflag:$0x1] =	stream.indirect.gather [hbm4b:s1+s15], $0x80, s2, s15, $0xb8;
	[tilespmem:$0x1FB00] =	vst v63  }
0x24: {  	_ = 	snop  }
0x25: {  	[tilespmem:s17], [sflag:$0x2] =	stream.indirect.gather [hbm4b:s1+s15], $0x80, s15, s15, $0xb8;
	[tilespmem:$0x1FB00] =	vst v63  }
0x26: {  	_ =	swait.ge [sflag:s18], $0xC800  }
0x27: {  	[sflag:s18] =	ssyncset.done $0x0  }
0x28: {  	s3 =	simm.s32 $0x3580;
	[sflag:s18] =	ssyncadd.s32 $0xFFFF3800  }
0x29: {  	[tilespmem:s16], [sflag:$0x3] =	stream.indirect.gather.add.f32 [hbm:s4], $0x80, s3, s15, $0xb8;
	[tilespmem:$0x1FB00] =	vst v63  }
0x2a: {  	_ =	swait.ge [sflag:s19], $0xC800  }
0x2b: {  	p1 =	sle.u32 s5, $0x2;
	[sflag:s19] =	ssyncset.done $0x0  }
0x2c: {  	s14 =	sadd.s32 $0xFFFFE700, s12;
	s25 =	simm.s32 @!p1 $0x5;
	[sflag:s19] =	ssyncadd.s32 $0xFFFF3800  }
0x2d: {  	[hbm4b:s14+s2] =	stream.linear.scatter [tilespmem:s16], [sflag:$0x5], $0xC800, $0x38;
	[tilespmem:$0x1FB00] =	vst v63  }
0x2e: {  	_ =	swait.ge @!p1 [sflag:s25], $0xC800  }
0x2f: {  	s28 =	simm.s32 @!p1 $0x6B00;
	[sflag:s25] =	ssyncset.done @!p1 $0x0  }
0x30: {  	s0 =	simm.s32 @!p1 $0x320;
	s26 =	simm.s32 @!p1 $0x190;
	[sflag:s25] =	ssyncadd.s32 @!p1 $0xFFFF3800  }
0x31: {  	[tilespmem:s28], [sflag:$0x1] =	stream.indirect.gather @!p1 [hbm4b:s1+s26], $0x80, s0, s26, $0xb8;
	[tilespmem:$0x1FB00] =	vst v63  }
0x32: {  	_ =	swait.ge [sflag:s20], $0xC800  }
0x33: {  	[sflag:s20] =	ssyncset.done $0x0  }
0x34: {  	s26 =	simm.s32 $0x3710;
	[sflag:s20] =	ssyncadd.s32 $0xFFFF3800  }
0x35: {  	[tilespmem:s17], [sflag:$0x4] =	stream.indirect.gather.add.f32 [hbm:s4], $0x80, s26, s15, $0xb8;
	[tilespmem:$0x1FB00] =	vst v63  }
0x36: {  	p2 =	sle.u32 s5, $0x3;
	p1 =	sne.s32 s11, $0xC80;
	_ =	swait.ge [sflag:s21], $0xC800  }
.Ltmp0:
0x37: {  	s29 =	simm.s32 @!p2 $0x6;
	[sflag:s21] =	ssyncset.done $0x0;
	(pc) =	sbr.rel @!p1 .LBB2_3-.Ltmp0, $4  }
0x38: {  	s30 =	simm.s32 @!p2 $0x4B0;
	s31 =	simm.s32 @!p2 $0x190;
	[sflag:s21] =	ssyncadd.s32 $0xFFFF3800  }
0x39: {  	[hbm4b:s12+s2] =	stream.linear.scatter [tilespmem:s17], [sflag:$0x6], $0xC800, $0x38;
	[tilespmem:$0x1FB00] =	vst v63  }
0x3a: {  	s25 =	simm.s32 $0xC80;
	s0 =	simm.s32 @!p2 $0x13300;
	_ =	swait.ge @!p2 [sflag:s29], $0xC800  }
0x3b: {  	s28 =	smov.u32 s12;
	s26 =	simm.s32 $0x4;
	[sflag:s29] =	ssyncset.done @!p2 $0x0  }
.LBB2_2:
0x3c: {  	[sflag:s29] =	ssyncadd.s32 @!p2 $0xFFFF3800  }
0x3d: {  	s28 =	sadd.s32 $0x3200, s28;
	s3 =	smov.u32 s25;
	s25 =	sadd.s32 $0xC80, s25  }
0x3e: {  	[tilespmem:s0], [sflag:$0x2] =	stream.indirect.gather @!p2 [hbm4b:s1+s31], $0x80, s30, s31, $0xb8;
	[tilespmem:$0x1FB00] =	vst v63  }
0x3f: {  	s0 =	sshra.s32 s3, $0x2;
	p1 =	sne.s32 s11, s25;
	_ =	swait.ge [sflag:s18], $0xC800  }
0x40: {  	s29 =	sadd.s32 $0x3580, s0;
	[sflag:s18] =	ssyncset.done $0x0  }
0x41: {  	[sflag:s18] =	ssyncadd.s32 $0xFFFF3800  }
0x42: {  	[tilespmem:s16], [sflag:$0x3] =	stream.indirect.gather.add.f32 [hbm:s4], $0x80, s29, s15, $0xb8;
	[tilespmem:$0x1FB00] =	vst v63  }
0x43: {  	_ =	swait.ge [sflag:s19], $0xC800  }
0x44: {  	p2 =	sge.u32 s26, s5;
	s29 =	sadd.s32 $0xFFFFE700, s28;
	[sflag:s19] =	ssyncset.done $0x0  }
0x45: {  	s30 =	simm.s32 @!p2 $0x5;
	s31 =	sshra.s32 @!p2 s3, $0x2;
	[sflag:s19] =	ssyncadd.s32 $0xFFFF3800  }
0x46: {  	[hbm4b:s29+s2] =	stream.linear.scatter [tilespmem:s16], [sflag:$0x5], $0xC800, $0x38;
	[tilespmem:$0x1FB00] =	vst v63  }
0x47: {  	s29 =	sadd.s32 @!p2 $0x320, s31;
	_ =	swait.ge @!p2 [sflag:s30], $0xC800  }
0x48: {  	s14 =	simm.s32 @!p2 $0x6B00;
	s31 =	simm.s32 @!p2 $0x190;
	[sflag:s30] =	ssyncset.done @!p2 $0x0  }
0x49: {  	[sflag:s30] =	ssyncadd.s32 @!p2 $0xFFFF3800  }
0x4a: {  	[tilespmem:s14], [sflag:$0x1] =	stream.indirect.gather @!p2 [hbm4b:s1+s31], $0x80, s29, s31, $0xb8;
	[tilespmem:$0x1FB00] =	vst v63  }
0x4b: {  	_ =	swait.ge [sflag:s20], $0xC800  }
0x4c: {  	s0 =	sadd.s32 $0x3710, s0;
	[sflag:s20] =	ssyncset.done $0x0  }
0x4d: {  	[sflag:s20] =	ssyncadd.s32 $0xFFFF3800  }
0x4e: {  	[tilespmem:s17], [sflag:$0x4] =	stream.indirect.gather.add.f32 [hbm:s4], $0x80, s0, s15, $0xb8;
	[tilespmem:$0x1FB00] =	vst v63  }
0x4f: {  	s0 =	sadd.s32 $0x1, s26;
	_ =	swait.ge [sflag:s21], $0xC800  }
.Ltmp1:
0x50: {  	p2 =	sge.u32 s0, s5;
	[sflag:s21] =	ssyncset.done $0x0;
	(pc) =	sbr.rel @p1 .LBB2_2-.Ltmp1, $4  }
0x51: {  	s29 =	simm.s32 @!p2 $0x6;
	s0 =	sshra.s32 @!p2 s3, $0x2;
	[sflag:s21] =	ssyncadd.s32 $0xFFFF3800  }
0x52: {  	[hbm4b:s28+s2] =	stream.linear.scatter [tilespmem:s17], [sflag:$0x6], $0xC800, $0x38;
	[tilespmem:$0x1FB00] =	vst v63  }
0x53: {  	s26 =	sadd.s32 $0x2, s26;
	s30 =	sadd.s32 @!p2 $0x4B0, s0;
	_ =	swait.ge @!p2 [sflag:s29], $0xC800  }
0x54: {  	s31 =	simm.s32 @!p2 $0x190;
	s0 =	simm.s32 @!p2 $0x13300;
	[sflag:s29] =	ssyncset.done @!p2 $0x0  }
.LBB2_3:
0x55: {  	[sflag:s29] =	ssyncadd.s32 @!p2 $0xFFFF3800;
	s24 =	sadd.s32 $0x1, s24  }
0x56: {  	[tilespmem:s0], [sflag:$0x2] =	stream.indirect.gather @!p2 [hbm4b:s1+s31], $0x80, s30, s31, $0xb8;
	[tilespmem:$0x1FB00] =	vst v63  }
0x57: {  	p1 =	sne.s32 s24, s10;
	_ =	swait.ge [sflag:s22], $0xC800  }
.Ltmp2:
0x58: {  	[sflag:s22] =	ssyncset.done $0x0;
	(pc) =	sbr.rel @p1 .LBB2_1-.Ltmp2, $4  }
0x59: {  	[sflag:s22] =	ssyncadd.s32 $0xFFFF3800  }
0x5a: {  	_ =	swait.ge [sflag:s23], $0xC800  }
0x5b: {  	[sflag:s23] =	ssyncset.done $0x0  }
0x5c: {  	[sflag:s23] =	ssyncadd.s32 $0xFFFF3800  }
0x5d: {  	_ =	sfence.sel $0x180000  }
0x5e: {  	[bflag:$0x0] =	sbarrier.arrive $0xFFFF  }
0x5f: {  	_ =	strace $0x9000004D  }
0x60: {  	s0 =	stileid.u32;
	[bflag:$0x2] =	sbarrier.arrive $0xFFFF  }
0x61: {  	p0 =	sne.s32 s0, $0x0;
	s0 =	rddreg [dreg:$0x2]  }
0x62: {  	s0 =	sadd.s32 @!p0 $0x100000, s0  }
0x63: {  	[sflag:s0] =	ssyncadd.tile.s32 @!p0 $0x1;
	_ =	shalt  }
.Lfunc_end2:
_tile_overlayer_lowered:
.L_overlay_start_2:
0x64: {  	(tag) =	ssettag $0x2  }
0x65: {  	s0 =	rddreg [dreg:$0x0];
	s2 =	stileid.u32  }
0x66: {  	s1 =	rddreg [dreg:$0x1];
	p0 =	sne.s32 s2, $0x0  }
0x67: {  	s3 =	rddreg [dreg:$0x2];
	[bflag:$0x3] =	sbarrier.arrive $0xFFFF;
	s2 =	simm.s32 @!p0 $0x1C07  }
0x68: {  	[timem:s3], [sflag:s2] =	dma.local @!p0 [hbm:s0], s1  }
0x69: {  	s0 =	simm.s32 @!p0 $0x7  }
0x6a: {  	_ =	swait.ge @!p0 [sflag:s0], s1  }
0x6b: {  	s1 =	ssub.s32 @!p0 $0x0, s1;
	[sflag:s0] =	ssyncset.done @!p0 $0x0  }
0x6c: {  	[sflag:s0] =	ssyncadd.s32 @!p0 s1  }
0x6d: {  	[bflag:$0x3] =	sbarrier.arrive $0xFFFF  }
0x6e: {  	_ =	shalt  }

// kernel: kernel.8.cloned.1.call-start
scs
__scs_entry_jumppad:
0x0: {  	(pc) =	sbr.rel $0x88, $3  }
0x1: {  	(tag) =	ssettag $0x0;
	lr =	simm.s32 $0x1  }
0x2: {  	[smem:$0x3F97] =	sst lr;
	_ =	strace $0xD0000000  }
0x3: {  	_ = 	snop  }
0x4: {  	_ = 	snop  }
0x5: {  	_ = 	snop  }
0x6: {  	_ = 	snop  }
0x7: {  	_ = 	snop  }
__scs_overlays_trampoline_lowered:
0x8: {  	[smem:$0x3FA6] =	sst s0  }
0x9: {  	[smem:$0x3FA7] =	sst s1  }
0xa: {  	[smem:$0x3FA8] =	sst s2  }
0xb: {  	[smem:$0x3FA9] =	sst s3  }
0xc: {  	[smem:$0x3FAA] =	sst s4  }
0xd: {  	[smem:$0x3FAB] =	sst s5  }
0xe: {  	[smem:$0x3FAC] =	sst s6  }
0xf: {  	[smem:$0x3FAD] =	sst s7  }
0x10: {  	[smem:$0x3FAE] =	sst s8  }
0x11: {  	[smem:$0x3FAF] =	sst s9;
	s0 =	simm.s32 @!p0 $0x0  }
0x12: {  	s1 =	sld [smem:$0x3F95];
	s0 =	simm.s32 @p0 $0x1  }
0x13: {  	[smem:$0x3FB0] =	sst s0;
	s0 =	simm.s32 @!p1 $0x0  }
0x14: {  	s2 =	sld [smem:$0x3F94];
	s0 =	simm.s32 @p1 $0x1  }
0x15: {  	[smem:$0x3FB1] =	sst s0;
	s0 =	simm.s32 @!p2 $0x0  }
0x16: {  	s3 =	sld [smem:$0x3FDB];
	s0 =	simm.s32 @p2 $0x1  }
0x17: {  	s4 =	simm.s32 $0x1BF5;
	[smem:$0x3FB3] =	sst s0  }
0x18: {  	s0 =	sld [smem:$0x3F96];
	_ =	swait.ge [sflag:s4], $0x0  }
0x19: {  	s7 =	sld [smem:$0x3F97]  }
0x1a: {  	s8 =	sadd.s32 $0xFFFFE003, lr  }
0x1b: {  	s9 =	sadd.s32 $0xFFFFFEF7, lr;
	s5 =	simm.s32 $0xFFFFFFFF;
	p2 =	slt.u32 s8, $0xFFFFF086  }
0x1c: {  	p1 =	slt.u32 s9, $0xF7A;
	s5 =	simm.s32 @!p2 $0x0  }
0x1d: {  	s5 =	simm.s32 @p1 $0x1;
	p0 =	seq.s32 s7, s2  }
0x1e: {  	s7 =	smul.u32 @!p0 $0xF7A, s2;
	p2 =	seq.s32 @!p0 s5, $0x0  }
0x1f: {  	s9 =	smul.u32 $0xF7A, s1;
	s8 =	simm.s32 @!p0 $0x1BF5;
	p2 =	por !p2, p0  }
0x20: {  	[sflag:s8] =	ssyncset.s32 @!p0 $0xFFFFF086;
	s6 =	sadd.s32 @!p0 s3, s7;
	s7 =	simm.s32 @!p0 $0x108  }
0x21: {  	s3 =	sadd.s32 s3, s9;
	s6 =	sadd.s32 @!p0 $0x88, s6;
	s7 =	simm.s32 @p2 $0x1082  }
0x22: {  	[simem:s7], [sflag:s8] =	dma.local @!p0 [hbm:s6], $0xF7A  }
0x23: {  	s9 =	sor.u32 $0xD0000000, s2;
	s6 =	simm.s32 $0x108;
	_ =	swait.ge @!p0 [sflag:s8], $0x0  }
0x24: {  	s3 =	sadd.s32 $0x88, s3;
	s6 =	simm.s32 @!p1 $0x1082;
	[sflag:s4] =	ssyncset.s32 $0xFFFFF086  }
0x25: {  	[simem:s6], [sflag:s4] =	dma.local [hbm:s3], $0xF7A  }
0x26: {  	[smem:$0x3F97] =	sst s1;
	(tag) =	ssettag s2;
	_ =	strace s9  }
0x27: {  	s1 =	sld [smem:$0x3FA7]  }
0x28: {  	s2 =	sld [smem:$0x3FA8]  }
0x29: {  	s4 =	sld [smem:$0x3FAA]  }
0x2a: {  	p0 =	seq.s32 s5, $0x0;
	s5 =	sld [smem:$0x3FAB]  }
0x2b: {  	s6 =	sld [smem:$0x3FAC]  }
0x2c: {  	s7 =	sld [smem:$0x3FAD]  }
0x2d: {  	s3 =	simm.s32 $0x108;
	s8 =	sld [smem:$0x3FAE]  }
0x2e: {  	s3 =	simm.s32 @!p0 $0x1082;
	s9 =	sld [smem:$0x3FAF]  }
0x2f: {  	lr =	sadd.s32 s0, s3;
	s0 =	sld [smem:$0x3FA6]  }
0x30: {  	s3 =	sld [smem:$0x3FA9]  }
0x31: {  	[smem:$0x3FB2] =	sst s10  }
0x32: {  	s10 =	sld [smem:$0x3FB0];
	_ =	sdelay $0x3  }
0x33: {  	p0 =	seq.s32 s10, $0x1;
	s10 =	sld [smem:$0x3FB2];
	_ =	sdelay $0x3  }
0x34: {  	[smem:$0x3FB2] =	sst s10  }
0x35: {  	s10 =	sld [smem:$0x3FB1];
	_ =	sdelay $0x3  }
0x36: {  	p1 =	seq.s32 s10, $0x1;
	s10 =	sld [smem:$0x3FB2];
	_ =	sdelay $0x3  }
0x37: {  	[smem:$0x3FB2] =	sst s10  }
0x38: {  	s10 =	sld [smem:$0x3FB3]  }
0x39: {  	_ = 	snop;
	(pc) =	sbr.ind lr, $3  }
0x3a: {  	_ = 	snop  }
0x3b: {  	_ = 	snop  }
0x3c: {  	p2 =	seq.s32 s10, $0x1;
	s10 =	sld [smem:$0x3FB2]  }
0x3d: {  	_ =	shalt  }
0x3e: {  	_ =	shalt  }
0x3f: {  	_ =	shalt  }
0x40: {  	_ =	shalt  }
0x41: {  	_ =	shalt  }
0x42: {  	_ =	shalt  }
0x43: {  	_ =	shalt  }
0x44: {  	_ =	shalt  }
0x45: {  	_ =	shalt  }
0x46: {  	_ =	shalt  }
0x47: {  	_ =	shalt  }
0x48: {  	_ =	shalt  }
0x49: {  	_ =	shalt  }
0x4a: {  	_ =	shalt  }
0x4b: {  	_ =	shalt  }
0x4c: {  	_ =	shalt  }
0x4d: {  	_ =	shalt  }
0x4e: {  	_ =	shalt  }
0x4f: {  	_ =	shalt  }
0x50: {  	_ =	shalt  }
0x51: {  	_ =	shalt  }
0x52: {  	_ =	shalt  }
0x53: {  	_ =	shalt  }
0x54: {  	_ =	shalt  }
0x55: {  	_ =	shalt  }
0x56: {  	_ =	shalt  }
0x57: {  	_ =	shalt  }
0x58: {  	_ =	shalt  }
0x59: {  	_ =	shalt  }
0x5a: {  	_ =	shalt  }
0x5b: {  	_ =	shalt  }
0x5c: {  	_ =	shalt  }
0x5d: {  	_ =	shalt  }
0x5e: {  	_ =	shalt  }
0x5f: {  	_ =	shalt  }
0x60: {  	_ =	shalt  }
0x61: {  	_ =	shalt  }
0x62: {  	_ =	shalt  }
0x63: {  	_ =	shalt  }
0x64: {  	_ =	shalt  }
0x65: {  	_ =	shalt  }
0x66: {  	_ =	shalt  }
0x67: {  	_ =	shalt  }
0x68: {  	_ =	shalt  }
0x69: {  	_ =	shalt  }
0x6a: {  	_ =	shalt  }
0x6b: {  	_ =	shalt  }
0x6c: {  	_ =	shalt  }
0x6d: {  	_ =	shalt  }
0x6e: {  	_ =	shalt  }
0x6f: {  	_ =	shalt  }
0x70: {  	_ =	shalt  }
0x71: {  	_ =	shalt  }
0x72: {  	_ =	shalt  }
0x73: {  	_ =	shalt  }
0x74: {  	_ =	shalt  }
0x75: {  	_ =	shalt  }
0x76: {  	_ =	shalt  }
0x77: {  	_ =	shalt  }
0x78: {  	_ =	shalt  }
0x79: {  	_ =	shalt  }
0x7a: {  	_ =	shalt  }
0x7b: {  	_ =	shalt  }
0x7c: {  	_ =	shalt  }
0x7d: {  	_ =	shalt  }
0x7e: {  	_ =	shalt  }
0x7f: {  	_ =	shalt  }
0x80: {  	_ =	shalt  }
0x81: {  	_ =	shalt  }
0x82: {  	_ =	shalt  }
0x83: {  	_ =	shalt  }
0x84: {  	_ =	shalt  }
0x85: {  	_ =	shalt  }
0x86: {  	_ =	shalt  }
0x87: {  	_ =	shalt  }
.Lfunc_end0:
.L_simem_size_0:
called_computation_lowered:
.L_overlay_start_0:
0x88: {  	s2 =	sld [smem:$0x3FD9]  }
0x89: {  	s3 =	sld [smem:$0x3FFE];
	_ =	sdelay $0x1  }
0x8a: {  	s1 =	srdreg.scid  }
0x8b: {  	s0 =	sand.u32 $0x1, s1  }
0x8c: {  	s16 =	sshll.u32 s0, $0xA;
	s2 =	sadd.s32 s3, s2  }
0x8d: {  	s2 =	sadd.s32 s2, s16  }
0x8e: {  	[smem:$0x3FBE] =	sst s2  }
0x8f: {  	_ = 	snop  }
0x90: {  	(tm) =	ssettm $0x1  }
0x91: {  	s17 =	sld [smem:$0x3FFB];
	_ =	sdelay $0x3  }
0x92: {  	_ =	strace s17  }
0x93: {  	s2 =	sld [smem:$0x3FFC];
	_ =	sdelay $0x3  }
0x94: {  	_ =	strace s2  }
0x95: {  	s2 =	sld [smem:$0x3FFD];
	_ =	sdelay $0x3  }
0x96: {  	_ =	strace s2  }
0x97: {  	_ =	strace $0x8FFFFFFF  }
0x98: {  	s18 =	sld [smem:$0x3FDB];
	_ =	sdelay $0x1  }
0x99: {  	s19 =	simm.s32 $_scs_section_size  }
0x9a: {  	s4 =	simm.s32 $_size__tile_overlayer_lowered;
	s5 =	simm.s32 $_tile_overlayer_lowered  }
0x9b: {  	s22 =	simm.s32 $0x1BFF;
	s21 =	sshll.u32 s5, $0x1;
	s2 =	sadd.s32 s19, s18  }
0x9c: {  	s6 =	simm.s32 $0x0;
	s20 =	sshll.u32 s4, $0x1;
	s4 =	sadd.s32 s21, s2  }
0x9d: {  	[timem:s6], [sflag:s22] =	dma.local [hbm:s4], s20  }
0x9e: {  	_ =	swait.ge [sflag:s22], s20  }
0x9f: {  	s3 =	ssub.s32 $0x0, s20;
	[sflag:s22] =	ssyncset.done $0x0  }
0xa0: {  	[sflag:s22] =	ssyncadd.s32 s3;
	_ =	sdelay $0x1  }
0xa1: {  	s23 =	simm.s32 $0x1B8B  }
0xa2: {  	_ =	swait.ge [sflag:s23], $0x1  }
0xa3: {  	[sflag:s23] =	ssyncset.done $0x0  }
0xa4: {  	s25 =	simm.s32 $0x1B8E;
	s24 =	sld [smem:$0x3FFE];
	[sflag:s23] =	ssyncadd.s32 $0xFFFFFFFF  }
0xa5: {  	s26 =	simm.s32 $execute0_lowered;
	[smem:$0x3FD2] =	sst s25  }
0xa6: {  	s4 =	sshll.u32 s26, $0x1;
	_ =	strace $0x80000046;
	[dreg:$0x1] =	wrdreg $0xFFFFFFFF  }
0xa7: {  	s28 =	simm.s32 $_size_execute0_lowered;
	s2 =	sadd.s32 s2, s4;
	[dreg:$0x0] =	wrdreg $0x0  }
0xa8: {  	s4 =	sshll.u32 s28, $0x1;
	[dreg:$0x2] =	wrdreg s2  }
0xa9: {  	[dreg:$0x3] =	wrdreg s4  }
0xaa: {  	[dreg:$0x4] =	wrdreg $0xC0  }
0xab: {  	_ =	task [dreg:s6], $0x5FFFF  }
0xac: {  	[dreg:$0x1] =	wrdreg $0xFFFFFFFF  }
0xad: {  	[dreg:$0x0] =	wrdreg $0x60  }
0xae: {  	[dreg:$0x2] =	wrdreg s24  }
0xaf: {  	[dreg:$0x3] =	wrdreg $0x0  }
0xb0: {  	[dreg:$0x4] =	wrdreg $0x9  }
0xb1: {  	_ =	task.clear_ibuf [dreg:s6], $0x5FFFF;
	_ =	strace $0x90000046  }
0xb2: {  	s29 =	simm.s32 $0x9;
	_ =	strace $0x80000048  }
0xb3: {  	_ =	swait.ge [sflag:s29], $0x1  }
0xb4: {  	[sflag:s29] =	ssyncadd.s32 $0xFFFFFFFF  }
0xb5: {  	_ =	strace $0x90000048  }
0xb6: {  	_ =	sfence  }
0xb7: {  	s30 =	sld [smem:$0x0];
	_ =	sdelay $0x2  }
0xb8: {  	s31 =	sshll.u32 s1, $0xD;
	s1 =	sshrl.u32 s1, $0x2  }
0xb9: {  	s3 =	sand.u32 $0x4000, s31;
	s1 =	sadd.s32 s1, s30  }
0xba: {  	s0 =	sor.u32 s3, s0;
	s1 =	sshll.u32 s1, $0x11  }
0xbb: {  	s0 =	sor.u32 s1, s0  }
0xbc: {  	s0 =	sadd.s32 $0x8F2B, s0  }
0xbd: {  	[sflag:s0] =	ssyncadd.remote.s32 $0x1  }
0xbe: {  	_ =	sfence.sel $0xFFFF  }
0xbf: {  	[dreg:$0x0] =	wrdreg $0xFFFFFFFF;
	(pc) =	sbr.abs _section_cstart, $3  }
0xc0: {  	[dreg:$0x1] =	wrdreg $0xFFFFFFFF  }
0xc1: {  	_ =	task.clear_ibuf [dreg:s6], $0x2FFFF;
	_ =	strace $0x9FFFFFFF  }
0xc2: {  	(tm) =	ssettm $0x7FFFFFFF  }
0xc3: {  	_ =	shalt  }
tec
execute0_lowered:
.L_overlay_start_1:
0x0: {  	(tag) =	ssettag $0x1  }
0x1: {  	s0 =	rddreg [dreg:$0x0]  }
0x2: {  	s1 =	rddreg [dreg:$0x1];
	s3 =	simm.s32 $0x0;
	s2 =	srdreg.scid  }
0x3: {  	s26 =	stileid.u32;
	s28 =	simm.s32 $0x14180;
	s29 =	simm.s32 $0x17600  }
0x4: {  	s30 =	simm.s32 $0x1;
	s31 =	simm.s32 $0x3;
	[smem:$0x7FF] =	sst s3  }
0x5: {  	s2 =	sand.u32 $0x1, s2;
	s8 =	smul.u32 $0x14000, s26;
	s4 =	sadd.s32 $0x16E00, s0  }
0x6: {  	s5 =	sadd.s32 $0xCA00, s0;
	s6 =	sadd.s32 $0x2600, s0;
	s10 =	smul.u32 $0x50000, s26  }
0x7: {  	s9 =	sadd.s32 $0x3EE00, s0;
	s15 =	sshll.u32 s26, $0x6;
	s16 =	smul.u32 $0x5140, s26  }
0x8: {  	s7 =	smul.u32 $0x140000, s2;
	_ =	strace $0x80000047;
	[dreg:$0x3] =	wrdreg s9  }
0x9: {  	s11 =	ssub.s32 $0x2, s2;
	s13 =	ssub.s32 $0x0, s2;
	p0 =	seq.s32 s2, $0x0  }
0xa: {  	s9 =	simm.s32 $0x82;
	s2 =	simm.s32 $0x4;
	s12 =	sshrl.u32 s11, $0x1  }
0xb: {  	s14 =	sshrl.u32 s10, $0x2;
	s9 =	simm.s32 @!p0 $0x46;
	s7 =	sadd.s32 s8, s7  }
0xc: {  	s11 =	ssub.s32 s11, s12;
	s12 =	sadd.s32 s14, s1;
	s24 =	sshrl.u32 s9, $0x1  }
0xd: {  	s8 =	sor.u32 $0x1C05, s15;
	s7 =	sshrl.u32 s7, $0x3;
	[dreg:$0x8] =	wrdreg s24  }
0xe: {  	s26 =	smax.u32 s11, $0x1;
	s0 =	sadd.s32 s7, s0;
	s7 =	sand.u32 $0x34D0, s13  }
0xf: {  	s24 =	simm.s32 $0x68;
	[dreg:$0xa] =	wrdreg s26;
	s17 =	sadd.s32 s16, s7  }
0x10: {  	s0 =	sadd.s32 $0x41600, s0;
	s7 =	sshrl.u32 s17, $0x3;
	s10 =	sadd.s32 $0x68, s17  }
0x11: {  	s23 =	sadd.s32 $0x138, s17;
	[dreg:$0x9] =	wrdreg s0;
	s14 =	sadd.s32 $0xD0, s17  }
0x12: {  	s0 =	simm.s32 $0x2;
	s18 =	sadd.s32 s5, s7;
	s19 =	sadd.s32 s6, s7  }
0x13: {  	s20 =	sshrl.u32 s10, $0x3;
	s25 =	sshrl.u32 s23, $0x3;
	[dreg:$0x4] =	wrdreg s18  }
0x14: {  	s23 =	simm.s32 $0x14100;
	s7 =	simm.s32 $0x0;
	[dreg:$0x5] =	wrdreg s19  }
0x15: {  	s21 =	sadd.s32 s5, s20;
	s22 =	sadd.s32 s6, s20;
	s18 =	sadd.s32 s25, s6  }
0x16: {  	s19 =	sadd.s32 s25, s5;
	s20 =	sshrl.u32 s12, $0x3;
	[dreg:$0x6] =	wrdreg s21  }
0x17: {  	s25 =	simm.s32 $0x14200;
	[dreg:$0x7] =	wrdreg s22;
	s21 =	simm.s32 $0x5  }
.LBB2_1:
0x18: {  	s3 =	rddreg [dreg:$0x3]  }
0x19: {  	[spmem:s20], [sflag:s8] =	dma.local [hbm:s3], $0x2800  }
0x1a: {  	_ =	swait.ge [sflag:s21], $0x2800  }
0x1b: {  	[sflag:s21] =	ssyncset.done $0x0  }
0x1c: {  	[sflag:s21] =	ssyncadd.s32 $0xFFFFD800  }
0x1d: {  	[bflag:$0x0] =	sbarrier.arrive $0xFFFF  }
0x1e: {  	s13 =	simm.s32 $0x0;
	s11 =	simm.s32 $0x14000;
	s10 =	rddreg [dreg:$0x4]  }
0x1f: {  	[tilespmem:s11], [sflag:$0x5] =	stream.linear.gather [hbm4b:s10+s13], $0x68, $0x38;
	[tilespmem:$0x1AA00] =	vst v63  }
0x20: {  	_ =	swait.ge [sflag:s21], $0x68  }
0x21: {  	[sflag:s21] =	ssyncset.done $0x0  }
0x22: {  	s15 =	rddreg [dreg:$0x5];
	[sflag:s21] =	ssyncadd.s32 $0xFFFFFF98  }
0x23: {  	[tilespmem:s23], [sflag:$0x5] =	stream.linear.gather [hbm4b:s15+s13], $0x68, $0x38;
	[tilespmem:$0x1AA00] =	vst v63  }
0x24: {  	_ =	swait.ge [sflag:s21], $0x68  }
0x25: {  	[sflag:s21] =	ssyncset.done $0x0  }
0x26: {  	[sflag:s21] =	ssyncadd.s32 $0xFFFFFF98  }
0x27: {  	[tilespmem:s25], [sflag:$0x1] =	stream.indirect.gather [hbm4b:s4+s24], $0x80, s11, s24, $0xb8;
	[tilespmem:$0x1AA00] =	vst v63  }
0x28: {  	s17 =	simm.s32 $0x14080;
	s16 =	rddreg [dreg:$0x6]  }
0x29: {  	[tilespmem:s17], [sflag:$0x5] =	stream.linear.gather [hbm4b:s16+s13], $0x68, $0x38;
	[tilespmem:$0x1AA00] =	vst v63  }
0x2a: {  	_ =	swait.ge [sflag:s21], $0x68  }
0x2b: {  	[sflag:s21] =	ssyncset.done $0x0  }
0x2c: {  	s22 =	rddreg [dreg:$0x7];
	[sflag:s21] =	ssyncadd.s32 $0xFFFFFF98  }
0x2d: {  	[tilespmem:s28], [sflag:$0x5] =	stream.linear.gather [hbm4b:s22+s13], $0x68, $0x38;
	[tilespmem:$0x1AA00] =	vst v63  }
0x2e: {  	_ =	swait.ge [sflag:s21], $0x68  }
0x2f: {  	[sflag:s21] =	ssyncset.done $0x0  }
0x30: {  	[sflag:s21] =	ssyncadd.s32 $0xFFFFFF98  }
0x31: {  	[tilespmem:s29], [sflag:$0x2] =	stream.indirect.gather [hbm4b:s4+s24], $0x80, s17, s24, $0xb8;
	[tilespmem:$0x1AA00] =	vst v63  }
0x32: {  	_ =	swait.ge [sflag:s30], $0x3400  }
0x33: {  	[sflag:s30] =	ssyncset.done $0x0  }
0x34: {  	p0 =	sle.u32 s9, $0x2;
	[sflag:s30] =	ssyncadd.s32 $0xFFFFCC00  }
0x35: {  	[spmem:s1] =	stream.indirect.scatter.add.f32 [tilespmem:s25], [sflag:$0x3], $0x80, s23, s24, $0xb8;
	[tilespmem:$0x1AA00] =	vst v63  }
0x36: {  	s10 =	sshrl.u32 @!p0 s14, $0x3;
	_ =	swait.ge [sflag:s31], $0x3400  }
0x37: {  	s12 =	sadd.s32 @!p0 s5, s10;
	s15 =	simm.s32 @!p0 $0x5;
	[sflag:s31] =	ssyncset.done $0x0  }
0x38: {  	s11 =	simm.s32 @!p0 $0x0;
	s13 =	simm.s32 @!p0 $0x14000;
	[sflag:s31] =	ssyncadd.s32 $0xFFFFCC00  }
0x39: {  	[tilespmem:s13], [sflag:$0x5] =	stream.linear.gather @!p0 [hbm4b:s12+s11], $0x68, $0x38;
	[tilespmem:$0x1AA00] =	vst v63  }
0x3a: {  	_ =	swait.ge @!p0 [sflag:s15], $0x68  }
0x3b: {  	[sflag:s15] =	ssyncset.done @!p0 $0x0  }
0x3c: {  	s10 =	sadd.s32 @!p0 s6, s10;
	s12 =	simm.s32 @!p0 $0x14100;
	[sflag:s15] =	ssyncadd.s32 @!p0 $0xFFFFFF98  }
0x3d: {  	[tilespmem:s12], [sflag:$0x5] =	stream.linear.gather @!p0 [hbm4b:s10+s11], $0x68, $0x38;
	[tilespmem:$0x1AA00] =	vst v63  }
0x3e: {  	_ =	swait.ge @!p0 [sflag:s15], $0x68  }
0x3f: {  	[sflag:s15] =	ssyncset.done @!p0 $0x0  }
0x40: {  	s10 =	simm.s32 @!p0 $0x68;
	s11 =	simm.s32 @!p0 $0x14200;
	[sflag:s15] =	ssyncadd.s32 @!p0 $0xFFFFFF98  }
0x41: {  	[tilespmem:s11], [sflag:$0x1] =	stream.indirect.gather @!p0 [hbm4b:s4+s10], $0x80, s13, s10, $0xb8;
	[tilespmem:$0x1AA00] =	vst v63  }
0x42: {  	_ =	swait.ge [sflag:s0], $0x3400  }
0x43: {  	[sflag:s0] =	ssyncset.done $0x0  }
0x44: {  	p1 =	sle.u32 s9, $0x3;
	[sflag:s0] =	ssyncadd.s32 $0xFFFFCC00  }
0x45: {  	[spmem:s1] =	stream.indirect.scatter.add.f32 [tilespmem:s29], [sflag:$0x4], $0x80, s28, s24, $0xb8;
	[tilespmem:$0x1AA00] =	vst v63  }
0x46: {  	s16 =	simm.s32 @!p1 $0x5;
	_ =	swait.ge [sflag:s2], $0x3400  }
0x47: {  	s12 =	simm.s32 @!p1 $0x0;
	[sflag:s2] =	ssyncset.done $0x0;
	s26 =	rddreg [dreg:$0x8]  }
0x48: {  	s15 =	simm.s32 @!p1 $0x14080;
	[sflag:s2] =	ssyncadd.s32 $0xFFFFCC00;
	s10 =	sadd.s32 $0xFFFFFFFF, s26  }
0x49: {  	[tilespmem:s15], [sflag:$0x5] =	stream.linear.gather @!p1 [hbm4b:s19+s12], $0x68, $0x38;
	[tilespmem:$0x1AA00] =	vst v63  }
0x4a: {  	p0 =	sne.s32 s10, $0x0;
	_ =	swait.ge @!p1 [sflag:s16], $0x68  }
.Ltmp0:
0x4b: {  	s22 =	simm.s32 @!p1 $0x68;
	[sflag:s16] =	ssyncset.done @!p1 $0x0;
	(pc) =	sbr.rel @!p0 .LBB2_3-.Ltmp0, $4  }
0x4c: {  	s17 =	smov.u32 s14;
	s13 =	simm.s32 @!p1 $0x14180;
	[sflag:s16] =	ssyncadd.s32 @!p1 $0xFFFFFF98  }
0x4d: {  	[tilespmem:s13], [sflag:$0x5] =	stream.linear.gather @!p1 [hbm4b:s18+s12], $0x68, $0x38;
	[tilespmem:$0x1AA00] =	vst v63  }
0x4e: {  	s11 =	sadd.s32 $0x1A, s19;
	s26 =	simm.s32 @!p1 $0x17600;
	_ =	swait.ge @!p1 [sflag:s16], $0x68  }
0x4f: {  	s12 =	simm.s32 $0x4;
	s13 =	sadd.s32 $0x1A, s18;
	[sflag:s16] =	ssyncset.done @!p1 $0x0  }
.LBB2_2:
0x50: {  	s10 =	sadd.s32 $0xFFFFFFFF, s10;
	[sflag:s16] =	ssyncadd.s32 @!p1 $0xFFFFFF98;
	s17 =	sadd.s32 $0xD0, s17  }
0x51: {  	[tilespmem:s26], [sflag:$0x2] =	stream.indirect.gather @!p1 [hbm4b:s4+s22], $0x80, s15, s22, $0xb8;
	[tilespmem:$0x1AA00] =	vst v63  }
0x52: {  	p0 =	sne.s32 s10, $0x0;
	_ =	swait.ge [sflag:s30], $0x3400  }
0x53: {  	[sflag:s30] =	ssyncset.done $0x0  }
0x54: {  	p1 =	sge.u32 s12, s9;
	[sflag:s30] =	ssyncadd.s32 $0xFFFFCC00  }
0x55: {  	[spmem:s1] =	stream.indirect.scatter.add.f32 [tilespmem:s25], [sflag:$0x3], $0x80, s23, s24, $0xb8;
	[tilespmem:$0x1AA00] =	vst v63  }
0x56: {  	s15 =	sshrl.u32 @!p1 s17, $0x3;
	s16 =	simm.s32 @!p1 $0x0;
	_ =	swait.ge [sflag:s31], $0x3400  }
0x57: {  	s26 =	simm.s32 @!p1 $0x14000;
	s22 =	sadd.s32 @!p1 s5, s15;
	[sflag:s31] =	ssyncset.done $0x0  }
0x58: {  	s3 =	simm.s32 @!p1 $0x5;
	s15 =	sadd.s32 @!p1 s6, s15;
	[sflag:s31] =	ssyncadd.s32 $0xFFFFCC00  }
0x59: {  	[tilespmem:s26], [sflag:$0x5] =	stream.linear.gather @!p1 [hbm4b:s22+s16], $0x68, $0x38;
	[tilespmem:$0x1AA00] =	vst v63  }
0x5a: {  	_ =	swait.ge @!p1 [sflag:s3], $0x68  }
0x5b: {  	s22 =	simm.s32 @!p1 $0x14100;
	[sflag:s3] =	ssyncset.done @!p1 $0x0  }
0x5c: {  	[sflag:s3] =	ssyncadd.s32 @!p1 $0xFFFFFF98  }
0x5d: {  	[tilespmem:s22], [sflag:$0x5] =	stream.linear.gather @!p1 [hbm4b:s15+s16], $0x68, $0x38;
	[tilespmem:$0x1AA00] =	vst v63  }
0x5e: {  	_ =	swait.ge @!p1 [sflag:s3], $0x68  }
0x5f: {  	s15 =	simm.s32 @!p1 $0x68;
	s16 =	simm.s32 @!p1 $0x14200;
	[sflag:s3] =	ssyncset.done @!p1 $0x0  }
0x60: {  	[sflag:s3] =	ssyncadd.s32 @!p1 $0xFFFFFF98  }
0x61: {  	[tilespmem:s16], [sflag:$0x1] =	stream.indirect.gather @!p1 [hbm4b:s4+s15], $0x80, s26, s15, $0xb8;
	[tilespmem:$0x1AA00] =	vst v63  }
0x62: {  	_ =	swait.ge [sflag:s0], $0x3400  }
0x63: {  	[sflag:s0] =	ssyncset.done $0x0  }
0x64: {  	s3 =	sadd.s32 $0x1, s12;
	[sflag:s0] =	ssyncadd.s32 $0xFFFFCC00  }
0x65: {  	[spmem:s1] =	stream.indirect.scatter.add.f32 [tilespmem:s29], [sflag:$0x4], $0x80, s28, s24, $0xb8;
	[tilespmem:$0x1AA00] =	vst v63  }
0x66: {  	p1 =	sge.u32 s3, s9;
	_ =	swait.ge [sflag:s2], $0x3400  }
0x67: {  	s3 =	simm.s32 @!p1 $0x0;
	s15 =	simm.s32 @!p1 $0x14080;
	[sflag:s2] =	ssyncset.done $0x0  }
0x68: {  	s16 =	simm.s32 @!p1 $0x5;
	[sflag:s2] =	ssyncadd.s32 $0xFFFFCC00  }
0x69: {  	[tilespmem:s15], [sflag:$0x5] =	stream.linear.gather @!p1 [hbm4b:s11+s3], $0x68, $0x38;
	[tilespmem:$0x1AA00] =	vst v63  }
0x6a: {  	_ =	swait.ge @!p1 [sflag:s16], $0x68  }
.Ltmp1:
0x6b: {  	s22 =	simm.s32 @!p1 $0x14180;
	[sflag:s16] =	ssyncset.done @!p1 $0x0;
	(pc) =	sbr.rel @p0 .LBB2_2-.Ltmp1, $4  }
0x6c: {  	s11 =	sadd.s32 $0x1A, s11;
	[sflag:s16] =	ssyncadd.s32 @!p1 $0xFFFFFF98  }
0x6d: {  	[tilespmem:s22], [sflag:$0x5] =	stream.linear.gather @!p1 [hbm4b:s13+s3], $0x68, $0x38;
	[tilespmem:$0x1AA00] =	vst v63  }
0x6e: {  	s12 =	sadd.s32 $0x2, s12;
	s13 =	sadd.s32 $0x1A, s13;
	_ =	swait.ge @!p1 [sflag:s16], $0x68  }
0x6f: {  	s26 =	simm.s32 @!p1 $0x17600;
	s22 =	simm.s32 @!p1 $0x68;
	[sflag:s16] =	ssyncset.done @!p1 $0x0  }
.LBB2_3:
0x70: {  	[sflag:s16] =	ssyncadd.s32 @!p1 $0xFFFFFF98  }
0x71: {  	[tilespmem:s26], [sflag:$0x2] =	stream.indirect.gather @!p1 [hbm4b:s4+s22], $0x80, s15, s22, $0xb8;
	[tilespmem:$0x1AA00] =	vst v63  }
0x72: {  	[bflag:$0x0] =	sbarrier.arrive $0xFFFF  }
0x73: {  	s3 =	rddreg [dreg:$0x9]  }
0x74: {  	[hbm:s3], [sflag:s8] =	dma.local [spmem:s20], $0x2800  }
0x75: {  	_ =	swait.ge [sflag:s21], $0x2800  }
0x76: {  	s7 =	sadd.s32 $0x1, s7;
	s26 =	rddreg [dreg:$0xa]  }
0x77: {  	p0 =	sne.s32 s7, s26  }
.Ltmp2:
0x78: {  	_ = 	snop;
	(pc) =	sbr.rel @p0 .LBB2_1-.Ltmp2, $3  }
0x79: {  	_ =	sdelay $0x1  }
0x7a: {  	[sflag:s21] =	ssyncset.done $0x0  }
0x7b: {  	[sflag:s21] =	ssyncadd.s32 $0xFFFFD800  }
0x7c: {  	_ =	sfence.sel $0x180000  }
0x7d: {  	[bflag:$0x0] =	sbarrier.arrive $0xFFFF  }
0x7e: {  	_ =	strace $0x90000047  }
0x7f: {  	s0 =	stileid.u32;
	[bflag:$0x2] =	sbarrier.arrive $0xFFFF  }
0x80: {  	p0 =	sne.s32 s0, $0x0;
	s0 =	rddreg [dreg:$0x2]  }
0x81: {  	s0 =	sadd.s32 @!p0 $0x100000, s0  }
0x82: {  	[sflag:s0] =	ssyncadd.tile.s32 @!p0 $0x1;
	_ =	shalt  }
.Lfunc_end2:
_tile_overlayer_lowered:
.L_overlay_start_2:
0x83: {  	(tag) =	ssettag $0x2  }
0x84: {  	s0 =	rddreg [dreg:$0x0];
	s2 =	stileid.u32  }
0x85: {  	s1 =	rddreg [dreg:$0x1];
	p0 =	sne.s32 s2, $0x0  }
0x86: {  	s3 =	rddreg [dreg:$0x2];
	[bflag:$0x3] =	sbarrier.arrive $0xFFFF;
	s2 =	simm.s32 @!p0 $0x1C05  }
0x87: {  	[timem:s3], [sflag:s2] =	dma.local @!p0 [hbm:s0], s1  }
0x88: {  	s0 =	simm.s32 @!p0 $0x5  }
0x89: {  	_ =	swait.ge @!p0 [sflag:s0], s1  }
0x8a: {  	s1 =	ssub.s32 @!p0 $0x0, s1;
	[sflag:s0] =	ssyncset.done @!p0 $0x0  }
0x8b: {  	[sflag:s0] =	ssyncadd.s32 @!p0 s1  }
0x8c: {  	[bflag:$0x3] =	sbarrier.arrive $0xFFFF  }
0x8d: {  	_ =	shalt  }

</sc_bundles>
